<compile_context>
chip_gen: v7x
topology: tpu7x:2x2x1
jax: 0.10.2.dev20260603
libtpu: 0.0.44.dev20260713+nightly
codegen_flags: <defaults>
</compile_context>

<pallas_src>
import jax
import jax.numpy as jnp
from jax import lax
from jax.experimental import pallas as pl
from jax.experimental.pallas import tpu as pltpu
from jax.experimental.pallas import tpu_sc as plsc

_NT = 60
_PS = 3375
_B = 16384
_NC = 2
_NS = 16
_TG = 8
_BG = 4
_TPG = 8
_BPG = _B // _BG
_HALF = _BPG // 2
_STRIPE = _BPG // _TG
_LANES = 16


def _sc_body(x_hbm, W_hbm, out_hbm, tab_v, x_v, acc_v, tmp_v, sem0, sem1,
             sem2, shared):
    c = lax.axis_index("c")
    s = lax.axis_index("s")
    tg = s % _TG
    bg = c * (_NS // _TG) + s // _TG
    sbase = s - tg
    off = jnp.where(tg == _TG - 1, _NT - _TPG, tg * _TPG)
    nown = jnp.where(tg == _TG - 2, _NT - (_TG - 1) * _TPG, _TPG)

    tab_dma = pltpu.async_copy(W_hbm.at[pl.ds(off, _TPG), :], tab_v, sem0)
    x_dma0 = pltpu.async_copy(
        x_hbm.at[pl.ds(off, _TPG), pl.ds(bg * (_BPG // 2), _HALF // 2)],
        x_v.at[:, pl.ds(0, _HALF // 2)], sem1)
    x_dma1 = pltpu.async_copy(
        x_hbm.at[pl.ds(off, _TPG), pl.ds(bg * (_BPG // 2) + _HALF // 2,
                                         _HALF // 2)],
        x_v.at[:, pl.ds(_HALF // 2, _HALF // 2)], sem2)

    def body(v, _):
        pos = pl.multiple_of(v * 2 * _LANES, 2 * _LANES)
        ppos = pl.multiple_of(v * _LANES, _LANES)
        acc_e = jnp.zeros((_LANES,), jnp.float32)
        acc_o = jnp.zeros((_LANES,), jnp.float32)
        for k in range(_TPG):
            kvec = jnp.full((_LANES,), k, jnp.int32)
            xq = plsc.bitcast(x_v[k, pl.ds(ppos, _LANES)], jnp.int16)
            xe, xo = plsc.unpack(xq, format=plsc.PackFormat.INTERLEAVED)
            ve = plsc.load_gather(tab_v, [kvec, xe])
            vo = plsc.load_gather(tab_v, [kvec, xo])
            acc_e = acc_e + jnp.where(k < nown, ve, 0.0)
            acc_o = acc_o + jnp.where(k < nown, vo, 0.0)
        acc_v[pl.ds(pos, _LANES)] = acc_e
        acc_v[pl.ds(pos + _LANES, _LANES)] = acc_o
        return 0

    tab_dma.wait()
    x_dma0.wait()
    lax.fori_loop(0, _HALF // (2 * _LANES), body, 0)
    x_dma1.wait()
    lax.fori_loop(_HALF // (2 * _LANES), _BPG // (2 * _LANES), body, 0)

    pltpu.sync_copy(acc_v, shared.at[s])
    plsc.subcore_barrier()

    for j in range(_TG):
        pltpu.sync_copy(shared.at[sbase + j, pl.ds(tg * _STRIPE, _STRIPE)],
                        tmp_v.at[j])

    iota2 = 2 * lax.iota(jnp.int32, _LANES)

    def red(v, _):
        pos = pl.multiple_of(v * 2 * _LANES, 2 * _LANES)
        tot_e = jnp.zeros((_LANES,), jnp.float32)
        tot_o = jnp.zeros((_LANES,), jnp.float32)
        for j in range(_TG):
            tot_e = tot_e + tmp_v[j, pl.ds(pos, _LANES)]
            tot_o = tot_o + tmp_v[j, pl.ds(pos + _LANES, _LANES)]
        plsc.store_scatter(acc_v, [pos + iota2], tot_e)
        plsc.store_scatter(acc_v, [pos + 1 + iota2], tot_o)
        return 0

    lax.fori_loop(0, _STRIPE // (2 * _LANES), red, 0)
    pltpu.sync_copy(acc_v.at[pl.ds(0, _STRIPE)],
                    out_hbm.at[pl.ds(bg * _BPG + tg * _STRIPE, _STRIPE)])


@jax.jit
def _sc_call(xT, W2):
    mesh = plsc.VectorSubcoreMesh(
        core_axis_name="c", subcore_axis_name="s",
        num_cores=_NC, num_subcores=_NS)
    f = pl.kernel(
        _sc_body,
        out_type=jax.ShapeDtypeStruct((_B,), jnp.float32),
        mesh=mesh,
        scratch_types=[
            pltpu.VMEM((_TPG, _PS), jnp.float32),
            pltpu.VMEM((_TPG, _BPG // 2), jnp.int32),
            pltpu.VMEM((_BPG,), jnp.float32),
            pltpu.VMEM((_TG, _STRIPE), jnp.float32),
            pltpu.SemaphoreType.DMA,
            pltpu.SemaphoreType.DMA,
            pltpu.SemaphoreType.DMA,
            pltpu.VMEM_SHARED((_NS, _BPG), jnp.float32),
        ],
        compiler_params=pltpu.CompilerParams(
            use_tc_tiling_on_sc=False, needs_layout_passes=False),
    )
    return f(xT, W2)


def kernel(x, W):
    W2 = W.reshape(_NT, _PS)
    xi = x.astype(jnp.int32)
    xp = xi[0::2, :] + (xi[1::2, :] << 16)
    xT = xp.T
    y = _sc_call(xT, W2)
    return y[:, None]

# --- scband reference (transcript-rebuilt; emitter-appended) ---
"""Pipeline reference for scband-evaluator-4088808866368 (READ-ONLY COPY).

The authoritative reference and input builder live on the scoring server;
editing this copy changes nothing except your own understanding.
"""

import jax, jax.numpy as jnp
import numpy as np

PATTERN_NUM = 60
PATTERN_SIZE = 15 * 15 * 15
BATCH = 16384


def setup_inputs(seed: int = 0) -> dict:
    key = jax.random.key(seed)
    k1, k2 = jax.random.split(key)
    x = jax.random.randint(k1, (BATCH, PATTERN_NUM), 0, PATTERN_SIZE)
    # stacked embedding tables: one [PATTERN_SIZE, 1] table per pattern, init ~ N(0, 1)
    W = jax.random.normal(k2, (PATTERN_NUM, PATTERN_SIZE, 1), dtype=jnp.float32)
    return {"x": x, "W": W}


def reference(x, W):
    # y = sum_i embeddings[i](x[:, i])  -> shape [B, 1]
    table_idx = jnp.arange(PATTERN_NUM)[None, :]  # [1, PATTERN_NUM]
    gathered = W[table_idx, x]                    # [B, PATTERN_NUM, 1]
    y = jnp.sum(gathered, axis=1)                 # [B, 1]
    return y

if __name__ == "__main__":
    import jax
    _d = setup_inputs()
    print(jax.jit(kernel)(*tuple(_d.values())))

</pallas_src>

<mosaic_0001>
#map = affine_map<(d0, d1) -> (0, 0)>
#map1 = affine_map<(d0, d1) -> (0)>
module attributes {stable_mosaic.version = 14 : i64} {
  func.func @_sc_body(%arg0: i32, %arg1: i32, %arg2: memref<60x8192xi32, #tpu.memory_space<hbm>>, %arg3: memref<60x3375xf32, #tpu.memory_space<hbm>>, %arg4: memref<16384xf32, #tpu.memory_space<hbm>>, %arg5: memref<8x3375xf32, #tpu.memory_space<vmem>>, %arg6: memref<8x2048xi32, #tpu.memory_space<vmem>>, %arg7: memref<4096xf32, #tpu.memory_space<vmem>>, %arg8: memref<8x512xf32, #tpu.memory_space<vmem>>, %arg9: memref<!tpu.dma_semaphore, #tpu.memory_space<semaphore_mem>>, %arg10: memref<!tpu.dma_semaphore, #tpu.memory_space<semaphore_mem>>, %arg11: memref<!tpu.dma_semaphore, #tpu.memory_space<semaphore_mem>>, %arg12: memref<16x4096xf32, #tpu.memory_space<vmem_shared>>) attributes {dimension_semantics = [#tpu.dimension_semantics<core_parallel>, #tpu.dimension_semantics<subcore_parallel>], iteration_bounds = array<i64: 2, 16>, scalar_prefetch = 0 : i64, scratch_operands = 8 : i64, tpu.core_type = #tpu.core_type<sc_vector_subcore>, window_params = [{transform_indices = #map}, {transform_indices = #map}, {transform_indices = #map1}]} {
    %jit3A = arith.constant 8 : i32
    %eq3A = arith.constant 0 : i32
    %eq3A_0 = arith.cmpi eq, %jit3A, %eq3A : i32
    %jit3A_1 = arith.constant 1 : i32
    %select_n3A = arith.select %eq3A_0, %jit3A_1, %jit3A : i32
    %rem3A = arith.remsi %arg1, %select_n3A : i32
    %ne3A = arith.constant 0 : i32
    %ne3A_2 = arith.cmpi ne, %rem3A, %ne3A : i32
    %lt3A = arith.constant 0 : i32
    %lt3A_3 = arith.cmpi slt, %rem3A, %lt3A : i32
    %lt3A_4 = arith.constant 0 : i32
    %lt3A_5 = arith.cmpi slt, %select_n3A, %lt3A_4 : i32
    %ne3A_6 = arith.xori %lt3A_3, %lt3A_5 : i1
    %and3A = arith.andi %ne3A_6, %ne3A_2 : i1
    %add3A = arith.addi %rem3A, %select_n3A : i32
    %select_n3A_7 = arith.select %and3A, %add3A, %rem3A : i32
    %mul3A = arith.constant 2 : i32
    %mul3A_8 = arith.muli %arg0, %mul3A : i32
    %jit3A_9 = arith.constant 8 : i32
    %div3A = arith.divsi %arg1, %jit3A_9 : i32
    %sign3A = arith.constant 0 : i32
    %sign3A_10 = arith.cmpi sgt, %arg1, %sign3A : i32
    %sign3A_11 = arith.extui %sign3A_10 : i1 to i32
    %sign3A_12 = arith.constant 0 : i32
    %sign3A_13 = arith.cmpi slt, %arg1, %sign3A_12 : i32
    %sign3A_14 = arith.extui %sign3A_13 : i1 to i32
    %sign3A_15 = arith.subi %sign3A_11, %sign3A_14 : i32
    %sign3A_16 = arith.constant 0 : i32
    %sign3A_17 = arith.cmpi sgt, %jit3A_9, %sign3A_16 : i32
    %sign3A_18 = arith.extui %sign3A_17 : i1 to i32
    %sign3A_19 = arith.constant 0 : i32
    %sign3A_20 = arith.cmpi slt, %jit3A_9, %sign3A_19 : i32
    %sign3A_21 = arith.extui %sign3A_20 : i1 to i32
    %sign3A_22 = arith.subi %sign3A_18, %sign3A_21 : i32
    %ne3A_23 = arith.cmpi ne, %sign3A_15, %sign3A_22 : i32
    %rem3A_24 = arith.remsi %arg1, %jit3A_9 : i32
    %ne3A_25 = arith.constant 0 : i32
    %ne3A_26 = arith.cmpi ne, %rem3A_24, %ne3A_25 : i32
    %and3A_27 = arith.andi %ne3A_23, %ne3A_26 : i1
    %sub3A = arith.constant 1 : i32
    %sub3A_28 = arith.subi %div3A, %sub3A : i32
    %select_n3A_29 = arith.select %and3A_27, %sub3A_28, %div3A : i32
    %add3A_30 = arith.addi %mul3A_8, %select_n3A_29 : i32
    %sub3A_31 = arith.subi %arg1, %select_n3A_7 : i32
    %eq3A_32 = arith.constant 7 : i32
    %eq3A_33 = arith.cmpi eq, %select_n3A_7, %eq3A_32 : i32
    %mul3A_34 = arith.constant 8 : i32
    %mul3A_35 = arith.muli %select_n3A_7, %mul3A_34 : i32
    %jit3A_36 = arith.constant 52 : i32
    %select_n3A_37 = arith.select %eq3A_33, %jit3A_36, %mul3A_35 : i32
    %eq3A_38 = arith.constant 6 : i32
    %eq3A_39 = arith.cmpi eq, %select_n3A_7, %eq3A_38 : i32
    %jit3A_40 = arith.constant 4 : i32
    %jit3A_41 = arith.constant 8 : i32
    %select_n3A_42 = arith.select %eq3A_39, %jit3A_40, %jit3A_41 : i32
    %dma_start3A = arith.constant 0 : i32
    %dma_start3A_43 = tpu.memref_slice %arg3[%select_n3A_37, %dma_start3A] : memref<60x3375xf32, #tpu.memory_space<hbm>> -> memref<8x3375xf32, #tpu.memory_space<hbm>>
    %dma_start3A_44 = arith.constant 0 : i32
    %dma_start3A_45 = tpu.memref_slice %arg3[%select_n3A_37, %dma_start3A_44] : memref<60x3375xf32, #tpu.memory_space<hbm>> -> memref<8x3375xf32, #tpu.memory_space<hbm>>
    tpu.enqueue_dma source(%dma_start3A_45 : memref<8x3375xf32, #tpu.memory_space<hbm>>) target(%arg5 : memref<8x3375xf32, #tpu.memory_space<vmem>>) target_semaphore(%arg9 : memref<!tpu.dma_semaphore, #tpu.memory_space<semaphore_mem>>)
    %mul3A_46 = arith.constant 2048 : i32
    %mul3A_47 = arith.muli %add3A_30, %mul3A_46 : i32
    %dma_start3A_48 = arith.constant 0 : i32
    %dma_start3A_49 = arith.constant 0 : i32
    %dma_start3A_50 = tpu.memref_slice %arg6[%dma_start3A_48, %dma_start3A_49] : memref<8x2048xi32, #tpu.memory_space<vmem>> -> memref<8x1024xi32, #tpu.memory_space<vmem>>
    %dma_start3A_51 = tpu.memref_slice %arg2[%select_n3A_37, %mul3A_47] : memref<60x8192xi32, #tpu.memory_space<hbm>> -> memref<8x1024xi32, #tpu.memory_space<hbm>>
    %dma_start3A_52 = arith.constant 0 : i32
    %dma_start3A_53 = arith.constant 0 : i32
    %dma_start3A_54 = tpu.memref_slice %arg6[%dma_start3A_52, %dma_start3A_53] : memref<8x2048xi32, #tpu.memory_space<vmem>> -> memref<8x1024xi32, #tpu.memory_space<vmem>>
    %dma_start3A_55 = tpu.memref_slice %arg2[%select_n3A_37, %mul3A_47] : memref<60x8192xi32, #tpu.memory_space<hbm>> -> memref<8x1024xi32, #tpu.memory_space<hbm>>
    tpu.enqueue_dma source(%dma_start3A_55 : memref<8x1024xi32, #tpu.memory_space<hbm>>) target(%dma_start3A_54 : memref<8x1024xi32, #tpu.memory_space<vmem>>) target_semaphore(%arg10 : memref<!tpu.dma_semaphore, #tpu.memory_space<semaphore_mem>>)
    %mul3A_56 = arith.constant 2048 : i32
    %mul3A_57 = arith.muli %add3A_30, %mul3A_56 : i32
    %add3A_58 = arith.constant 1024 : i32
    %add3A_59 = arith.addi %mul3A_57, %add3A_58 : i32
    %dma_start3A_60 = arith.constant 0 : i32
    %dma_start3A_61 = arith.constant 1024 : i32
    %dma_start3A_62 = tpu.memref_slice %arg6[%dma_start3A_60, %dma_start3A_61] : memref<8x2048xi32, #tpu.memory_space<vmem>> -> memref<8x1024xi32, #tpu.memory_space<vmem>>
    %dma_start3A_63 = tpu.memref_slice %arg2[%select_n3A_37, %add3A_59] : memref<60x8192xi32, #tpu.memory_space<hbm>> -> memref<8x1024xi32, #tpu.memory_space<hbm>>
    %dma_start3A_64 = arith.constant 0 : i32
    %dma_start3A_65 = arith.constant 1024 : i32
    %dma_start3A_66 = tpu.memref_slice %arg6[%dma_start3A_64, %dma_start3A_65] : memref<8x2048xi32, #tpu.memory_space<vmem>> -> memref<8x1024xi32, #tpu.memory_space<vmem>>
    %dma_start3A_67 = tpu.memref_slice %arg2[%select_n3A_37, %add3A_59] : memref<60x8192xi32, #tpu.memory_space<hbm>> -> memref<8x1024xi32, #tpu.memory_space<hbm>>
    tpu.enqueue_dma source(%dma_start3A_67 : memref<8x1024xi32, #tpu.memory_space<hbm>>) target(%dma_start3A_66 : memref<8x1024xi32, #tpu.memory_space<vmem>>) target_semaphore(%arg11 : memref<!tpu.dma_semaphore, #tpu.memory_space<semaphore_mem>>)
    %dma_wait3A = arith.constant 0 : i32
    %dma_wait3A_68 = tpu.memref_slice %arg3[%select_n3A_37, %dma_wait3A] : memref<60x3375xf32, #tpu.memory_space<hbm>> -> memref<8x3375xf32, #tpu.memory_space<hbm>>
    %dma_wait3A_69 = arith.constant 0 : i32
    %dma_wait3A_70 = tpu.memref_slice %arg3[%select_n3A_37, %dma_wait3A_69] : memref<60x3375xf32, #tpu.memory_space<hbm>> -> memref<8x3375xf32, #tpu.memory_space<hbm>>
    tpu.wait_dma2 semaphore(%arg9 : memref<!tpu.dma_semaphore, #tpu.memory_space<semaphore_mem>>) src(%dma_wait3A_70 : memref<8x3375xf32, #tpu.memory_space<hbm>>) dst(%arg5 : memref<8x3375xf32, #tpu.memory_space<vmem>>)
    %dma_wait3A_71 = arith.constant 0 : i32
    %dma_wait3A_72 = arith.constant 0 : i32
    %dma_wait3A_73 = tpu.memref_slice %arg6[%dma_wait3A_71, %dma_wait3A_72] : memref<8x2048xi32, #tpu.memory_space<vmem>> -> memref<8x1024xi32, #tpu.memory_space<vmem>>
    %dma_wait3A_74 = tpu.memref_slice %arg2[%select_n3A_37, %mul3A_47] : memref<60x8192xi32, #tpu.memory_space<hbm>> -> memref<8x1024xi32, #tpu.memory_space<hbm>>
    %dma_wait3A_75 = arith.constant 0 : i32
    %dma_wait3A_76 = arith.constant 0 : i32
    %dma_wait3A_77 = tpu.memref_slice %arg6[%dma_wait3A_75, %dma_wait3A_76] : memref<8x2048xi32, #tpu.memory_space<vmem>> -> memref<8x1024xi32, #tpu.memory_space<vmem>>
    %dma_wait3A_78 = tpu.memref_slice %arg2[%select_n3A_37, %mul3A_47] : memref<60x8192xi32, #tpu.memory_space<hbm>> -> memref<8x1024xi32, #tpu.memory_space<hbm>>
    tpu.wait_dma2 semaphore(%arg10 : memref<!tpu.dma_semaphore, #tpu.memory_space<semaphore_mem>>) src(%dma_wait3A_78 : memref<8x1024xi32, #tpu.memory_space<hbm>>) dst(%dma_wait3A_77 : memref<8x1024xi32, #tpu.memory_space<vmem>>)
    %scan3A = arith.constant 0 : i32
    %scan3A_79 = arith.constant 0 : i32
    %scan3A_80 = arith.constant 64 : i32
    %scan3A_81 = arith.addi %scan3A_79, %scan3A_80 : i32
    %scan3A_82 = arith.constant 1 : i32
    %scan3A_83 = scf.for %scan3A_154 = %scan3A_79 to %scan3A_81 step %scan3A_82 iter_args(%scan3A_155 = %scan3A) -> (i32)  : i32 {
      %mul3A_156 = arith.constant 2 : i32
      %mul3A_157 = arith.muli %scan3A_154, %mul3A_156 : i32
      %mul3A_158 = arith.constant 16 : i32
      %mul3A_159 = arith.muli %mul3A_157, %mul3A_158 : i32
      %multiple_of3A = tpu.assume_multiple %mul3A_159, 32 : i32
      %mul3A_160 = arith.constant 16 : i32
      %mul3A_161 = arith.muli %scan3A_154, %mul3A_160 : i32
      %multiple_of3A_162 = tpu.assume_multiple %mul3A_161, 16 : i32
      %broadcast_in_dim3A = arith.constant 0.000000e+00 : f32
      %broadcast_in_dim3A_163 = vector.broadcast %broadcast_in_dim3A : f32 to vector<16xf32>
      %broadcast_in_dim3A_164 = arith.constant 0.000000e+00 : f32
      %broadcast_in_dim3A_165 = vector.broadcast %broadcast_in_dim3A_164 : f32 to vector<16xf32>
      %broadcast_in_dim3A_166 = arith.constant 0 : i32
      %broadcast_in_dim3A_167 = vector.broadcast %broadcast_in_dim3A_166 : i32 to vector<16xi32>
      %get3A = arith.constant 0 : i32
      %get3A_168 = arith.index_cast %get3A : i32 to index
      %get3A_169 = arith.index_cast %multiple_of3A_162 : i32 to index
      %get3A_170 = tpu.vector_load %arg6[%get3A_168, %get3A_169] {strides = array<i32>} : memref<8x2048xi32, #tpu.memory_space<vmem>>, vector<16xi32>,
      %bitcast3A = vector.bitcast %get3A_170 : vector<16xi32> to vector<32xi16>
      %unpack3A = tpu.unpack_subelements %bitcast3A, 0 {pack_format = #tpu.pack_format<interleaved>} : vector<32xi16> -> vector<16xi32>
      %unpack3A_171 = tpu.unpack_subelements %bitcast3A, 1 {pack_format = #tpu.pack_format<interleaved>} : vector<32xi16> -> vector<16xi32>
      %gather3A = tpu.vector_load_idx %arg5[%broadcast_in_dim3A_167, %unpack3A] : memref<8x3375xf32, #tpu.memory_space<vmem>>[vector<16xi32>, vector<16xi32>], vector<16xf32>,
      %gather3A_172 = tpu.vector_load_idx %arg5[%broadcast_in_dim3A_167, %unpack3A_171] : memref<8x3375xf32, #tpu.memory_space<vmem>>[vector<16xi32>, vector<16xi32>], vector<16xf32>,
      %gt3A = arith.constant 0 : i32
      %gt3A_173 = arith.cmpi sgt, %select_n3A_42, %gt3A : i32
      %jit3A_174 = arith.constant 0.000000e+00 : f32
      %broadcast_in_dim3A_175 = vector.broadcast %jit3A_174 : f32 to vector<16xf32>
      %select_n3A_176 = arith.select %gt3A_173, %gather3A, %broadcast_in_dim3A_175 : vector<16xf32>
      %add3A_177 = arith.addf %broadcast_in_dim3A_163, %select_n3A_176 : vector<16xf32>
      %gt3A_178 = arith.constant 0 : i32
      %gt3A_179 = arith.cmpi sgt, %select_n3A_42, %gt3A_178 : i32
      %jit3A_180 = arith.constant 0.000000e+00 : f32
      %broadcast_in_dim3A_181 = vector.broadcast %jit3A_180 : f32 to vector<16xf32>
      %select_n3A_182 = arith.select %gt3A_179, %gather3A_172, %broadcast_in_dim3A_181 : vector<16xf32>
      %add3A_183 = arith.addf %broadcast_in_dim3A_165, %select_n3A_182 : vector<16xf32>
      %broadcast_in_dim3A_184 = arith.constant 1 : i32
      %broadcast_in_dim3A_185 = vector.broadcast %broadcast_in_dim3A_184 : i32 to vector<16xi32>
      %get3A_186 = arith.constant 1 : i32
      %get3A_187 = arith.index_cast %get3A_186 : i32 to index
      %get3A_188 = arith.index_cast %multiple_of3A_162 : i32 to index
      %get3A_189 = tpu.vector_load %arg6[%get3A_187, %get3A_188] {strides = array<i32>} : memref<8x2048xi32, #tpu.memory_space<vmem>>, vector<16xi32>,
      %bitcast3A_190 = vector.bitcast %get3A_189 : vector<16xi32> to vector<32xi16>
      %unpack3A_191 = tpu.unpack_subelements %bitcast3A_190, 0 {pack_format = #tpu.pack_format<interleaved>} : vector<32xi16> -> vector<16xi32>
      %unpack3A_192 = tpu.unpack_subelements %bitcast3A_190, 1 {pack_format = #tpu.pack_format<interleaved>} : vector<32xi16> -> vector<16xi32>
      %gather3A_193 = tpu.vector_load_idx %arg5[%broadcast_in_dim3A_185, %unpack3A_191] : memref<8x3375xf32, #tpu.memory_space<vmem>>[vector<16xi32>, vector<16xi32>], vector<16xf32>,
      %gather3A_194 = tpu.vector_load_idx %arg5[%broadcast_in_dim3A_185, %unpack3A_192] : memref<8x3375xf32, #tpu.memory_space<vmem>>[vector<16xi32>, vector<16xi32>], vector<16xf32>,
      %gt3A_195 = arith.constant 1 : i32
      %gt3A_196 = arith.cmpi sgt, %select_n3A_42, %gt3A_195 : i32
      %jit3A_197 = arith.constant 0.000000e+00 : f32
      %broadcast_in_dim3A_198 = vector.broadcast %jit3A_197 : f32 to vector<16xf32>
      %select_n3A_199 = arith.select %gt3A_196, %gather3A_193, %broadcast_in_dim3A_198 : vector<16xf32>
      %add3A_200 = arith.addf %add3A_177, %select_n3A_199 : vector<16xf32>
      %gt3A_201 = arith.constant 1 : i32
      %gt3A_202 = arith.cmpi sgt, %select_n3A_42, %gt3A_201 : i32
      %jit3A_203 = arith.constant 0.000000e+00 : f32
      %broadcast_in_dim3A_204 = vector.broadcast %jit3A_203 : f32 to vector<16xf32>
      %select_n3A_205 = arith.select %gt3A_202, %gather3A_194, %broadcast_in_dim3A_204 : vector<16xf32>
      %add3A_206 = arith.addf %add3A_183, %select_n3A_205 : vector<16xf32>
      %broadcast_in_dim3A_207 = arith.constant 2 : i32
      %broadcast_in_dim3A_208 = vector.broadcast %broadcast_in_dim3A_207 : i32 to vector<16xi32>
      %get3A_209 = arith.constant 2 : i32
      %get3A_210 = arith.index_cast %get3A_209 : i32 to index
      %get3A_211 = arith.index_cast %multiple_of3A_162 : i32 to index
      %get3A_212 = tpu.vector_load %arg6[%get3A_210, %get3A_211] {strides = array<i32>} : memref<8x2048xi32, #tpu.memory_space<vmem>>, vector<16xi32>,
      %bitcast3A_213 = vector.bitcast %get3A_212 : vector<16xi32> to vector<32xi16>
      %unpack3A_214 = tpu.unpack_subelements %bitcast3A_213, 0 {pack_format = #tpu.pack_format<interleaved>} : vector<32xi16> -> vector<16xi32>
      %unpack3A_215 = tpu.unpack_subelements %bitcast3A_213, 1 {pack_format = #tpu.pack_format<interleaved>} : vector<32xi16> -> vector<16xi32>
      %gather3A_216 = tpu.vector_load_idx %arg5[%broadcast_in_dim3A_208, %unpack3A_214] : memref<8x3375xf32, #tpu.memory_space<vmem>>[vector<16xi32>, vector<16xi32>], vector<16xf32>,
      %gather3A_217 = tpu.vector_load_idx %arg5[%broadcast_in_dim3A_208, %unpack3A_215] : memref<8x3375xf32, #tpu.memory_space<vmem>>[vector<16xi32>, vector<16xi32>], vector<16xf32>,
      %gt3A_218 = arith.constant 2 : i32
      %gt3A_219 = arith.cmpi sgt, %select_n3A_42, %gt3A_218 : i32
      %jit3A_220 = arith.constant 0.000000e+00 : f32
      %broadcast_in_dim3A_221 = vector.broadcast %jit3A_220 : f32 to vector<16xf32>
      %select_n3A_222 = arith.select %gt3A_219, %gather3A_216, %broadcast_in_dim3A_221 : vector<16xf32>
      %add3A_223 = arith.addf %add3A_200, %select_n3A_222 : vector<16xf32>
      %gt3A_224 = arith.constant 2 : i32
      %gt3A_225 = arith.cmpi sgt, %select_n3A_42, %gt3A_224 : i32
      %jit3A_226 = arith.constant 0.000000e+00 : f32
      %broadcast_in_dim3A_227 = vector.broadcast %jit3A_226 : f32 to vector<16xf32>
      %select_n3A_228 = arith.select %gt3A_225, %gather3A_217, %broadcast_in_dim3A_227 : vector<16xf32>
      %add3A_229 = arith.addf %add3A_206, %select_n3A_228 : vector<16xf32>
      %broadcast_in_dim3A_230 = arith.constant 3 : i32
      %broadcast_in_dim3A_231 = vector.broadcast %broadcast_in_dim3A_230 : i32 to vector<16xi32>
      %get3A_232 = arith.constant 3 : i32
      %get3A_233 = arith.index_cast %get3A_232 : i32 to index
      %get3A_234 = arith.index_cast %multiple_of3A_162 : i32 to index
      %get3A_235 = tpu.vector_load %arg6[%get3A_233, %get3A_234] {strides = array<i32>} : memref<8x2048xi32, #tpu.memory_space<vmem>>, vector<16xi32>,
      %bitcast3A_236 = vector.bitcast %get3A_235 : vector<16xi32> to vector<32xi16>
      %unpack3A_237 = tpu.unpack_subelements %bitcast3A_236, 0 {pack_format = #tpu.pack_format<interleaved>} : vector<32xi16> -> vector<16xi32>
      %unpack3A_238 = tpu.unpack_subelements %bitcast3A_236, 1 {pack_format = #tpu.pack_format<interleaved>} : vector<32xi16> -> vector<16xi32>
      %gather3A_239 = tpu.vector_load_idx %arg5[%broadcast_in_dim3A_231, %unpack3A_237] : memref<8x3375xf32, #tpu.memory_space<vmem>>[vector<16xi32>, vector<16xi32>], vector<16xf32>,
      %gather3A_240 = tpu.vector_load_idx %arg5[%broadcast_in_dim3A_231, %unpack3A_238] : memref<8x3375xf32, #tpu.memory_space<vmem>>[vector<16xi32>, vector<16xi32>], vector<16xf32>,
      %gt3A_241 = arith.constant 3 : i32
      %gt3A_242 = arith.cmpi sgt, %select_n3A_42, %gt3A_241 : i32
      %jit3A_243 = arith.constant 0.000000e+00 : f32
      %broadcast_in_dim3A_244 = vector.broadcast %jit3A_243 : f32 to vector<16xf32>
      %select_n3A_245 = arith.select %gt3A_242, %gather3A_239, %broadcast_in_dim3A_244 : vector<16xf32>
      %add3A_246 = arith.addf %add3A_223, %select_n3A_245 : vector<16xf32>
      %gt3A_247 = arith.constant 3 : i32
      %gt3A_248 = arith.cmpi sgt, %select_n3A_42, %gt3A_247 : i32
      %jit3A_249 = arith.constant 0.000000e+00 : f32
      %broadcast_in_dim3A_250 = vector.broadcast %jit3A_249 : f32 to vector<16xf32>
      %select_n3A_251 = arith.select %gt3A_248, %gather3A_240, %broadcast_in_dim3A_250 : vector<16xf32>
      %add3A_252 = arith.addf %add3A_229, %select_n3A_251 : vector<16xf32>
      %broadcast_in_dim3A_253 = arith.constant 4 : i32
      %broadcast_in_dim3A_254 = vector.broadcast %broadcast_in_dim3A_253 : i32 to vector<16xi32>
      %get3A_255 = arith.constant 4 : i32
      %get3A_256 = arith.index_cast %get3A_255 : i32 to index
      %get3A_257 = arith.index_cast %multiple_of3A_162 : i32 to index
      %get3A_258 = tpu.vector_load %arg6[%get3A_256, %get3A_257] {strides = array<i32>} : memref<8x2048xi32, #tpu.memory_space<vmem>>, vector<16xi32>,
      %bitcast3A_259 = vector.bitcast %get3A_258 : vector<16xi32> to vector<32xi16>
      %unpack3A_260 = tpu.unpack_subelements %bitcast3A_259, 0 {pack_format = #tpu.pack_format<interleaved>} : vector<32xi16> -> vector<16xi32>
      %unpack3A_261 = tpu.unpack_subelements %bitcast3A_259, 1 {pack_format = #tpu.pack_format<interleaved>} : vector<32xi16> -> vector<16xi32>
      %gather3A_262 = tpu.vector_load_idx %arg5[%broadcast_in_dim3A_254, %unpack3A_260] : memref<8x3375xf32, #tpu.memory_space<vmem>>[vector<16xi32>, vector<16xi32>], vector<16xf32>,
      %gather3A_263 = tpu.vector_load_idx %arg5[%broadcast_in_dim3A_254, %unpack3A_261] : memref<8x3375xf32, #tpu.memory_space<vmem>>[vector<16xi32>, vector<16xi32>], vector<16xf32>,
      %gt3A_264 = arith.constant 4 : i32
      %gt3A_265 = arith.cmpi sgt, %select_n3A_42, %gt3A_264 : i32
      %jit3A_266 = arith.constant 0.000000e+00 : f32
      %broadcast_in_dim3A_267 = vector.broadcast %jit3A_266 : f32 to vector<16xf32>
      %select_n3A_268 = arith.select %gt3A_265, %gather3A_262, %broadcast_in_dim3A_267 : vector<16xf32>
      %add3A_269 = arith.addf %add3A_246, %select_n3A_268 : vector<16xf32>
      %gt3A_270 = arith.constant 4 : i32
      %gt3A_271 = arith.cmpi sgt, %select_n3A_42, %gt3A_270 : i32
      %jit3A_272 = arith.constant 0.000000e+00 : f32
      %broadcast_in_dim3A_273 = vector.broadcast %jit3A_272 : f32 to vector<16xf32>
      %select_n3A_274 = arith.select %gt3A_271, %gather3A_263, %broadcast_in_dim3A_273 : vector<16xf32>
      %add3A_275 = arith.addf %add3A_252, %select_n3A_274 : vector<16xf32>
      %broadcast_in_dim3A_276 = arith.constant 5 : i32
      %broadcast_in_dim3A_277 = vector.broadcast %broadcast_in_dim3A_276 : i32 to vector<16xi32>
      %get3A_278 = arith.constant 5 : i32
      %get3A_279 = arith.index_cast %get3A_278 : i32 to index
      %get3A_280 = arith.index_cast %multiple_of3A_162 : i32 to index
      %get3A_281 = tpu.vector_load %arg6[%get3A_279, %get3A_280] {strides = array<i32>} : memref<8x2048xi32, #tpu.memory_space<vmem>>, vector<16xi32>,
      %bitcast3A_282 = vector.bitcast %get3A_281 : vector<16xi32> to vector<32xi16>
      %unpack3A_283 = tpu.unpack_subelements %bitcast3A_282, 0 {pack_format = #tpu.pack_format<interleaved>} : vector<32xi16> -> vector<16xi32>
      %unpack3A_284 = tpu.unpack_subelements %bitcast3A_282, 1 {pack_format = #tpu.pack_format<interleaved>} : vector<32xi16> -> vector<16xi32>
      %gather3A_285 = tpu.vector_load_idx %arg5[%broadcast_in_dim3A_277, %unpack3A_283] : memref<8x3375xf32, #tpu.memory_space<vmem>>[vector<16xi32>, vector<16xi32>], vector<16xf32>,
      %gather3A_286 = tpu.vector_load_idx %arg5[%broadcast_in_dim3A_277, %unpack3A_284] : memref<8x3375xf32, #tpu.memory_space<vmem>>[vector<16xi32>, vector<16xi32>], vector<16xf32>,
      %gt3A_287 = arith.constant 5 : i32
      %gt3A_288 = arith.cmpi sgt, %select_n3A_42, %gt3A_287 : i32
      %jit3A_289 = arith.constant 0.000000e+00 : f32
      %broadcast_in_dim3A_290 = vector.broadcast %jit3A_289 : f32 to vector<16xf32>
      %select_n3A_291 = arith.select %gt3A_288, %gather3A_285, %broadcast_in_dim3A_290 : vector<16xf32>
      %add3A_292 = arith.addf %add3A_269, %select_n3A_291 : vector<16xf32>
      %gt3A_293 = arith.constant 5 : i32
      %gt3A_294 = arith.cmpi sgt, %select_n3A_42, %gt3A_293 : i32
      %jit3A_295 = arith.constant 0.000000e+00 : f32
      %broadcast_in_dim3A_296 = vector.broadcast %jit3A_295 : f32 to vector<16xf32>
      %select_n3A_297 = arith.select %gt3A_294, %gather3A_286, %broadcast_in_dim3A_296 : vector<16xf32>
      %add3A_298 = arith.addf %add3A_275, %select_n3A_297 : vector<16xf32>
      %broadcast_in_dim3A_299 = arith.constant 6 : i32
      %broadcast_in_dim3A_300 = vector.broadcast %broadcast_in_dim3A_299 : i32 to vector<16xi32>
      %get3A_301 = arith.constant 6 : i32
      %get3A_302 = arith.index_cast %get3A_301 : i32 to index
      %get3A_303 = arith.index_cast %multiple_of3A_162 : i32 to index
      %get3A_304 = tpu.vector_load %arg6[%get3A_302, %get3A_303] {strides = array<i32>} : memref<8x2048xi32, #tpu.memory_space<vmem>>, vector<16xi32>,
      %bitcast3A_305 = vector.bitcast %get3A_304 : vector<16xi32> to vector<32xi16>
      %unpack3A_306 = tpu.unpack_subelements %bitcast3A_305, 0 {pack_format = #tpu.pack_format<interleaved>} : vector<32xi16> -> vector<16xi32>
      %unpack3A_307 = tpu.unpack_subelements %bitcast3A_305, 1 {pack_format = #tpu.pack_format<interleaved>} : vector<32xi16> -> vector<16xi32>
      %gather3A_308 = tpu.vector_load_idx %arg5[%broadcast_in_dim3A_300, %unpack3A_306] : memref<8x3375xf32, #tpu.memory_space<vmem>>[vector<16xi32>, vector<16xi32>], vector<16xf32>,
      %gather3A_309 = tpu.vector_load_idx %arg5[%broadcast_in_dim3A_300, %unpack3A_307] : memref<8x3375xf32, #tpu.memory_space<vmem>>[vector<16xi32>, vector<16xi32>], vector<16xf32>,
      %gt3A_310 = arith.constant 6 : i32
      %gt3A_311 = arith.cmpi sgt, %select_n3A_42, %gt3A_310 : i32
      %jit3A_312 = arith.constant 0.000000e+00 : f32
      %broadcast_in_dim3A_313 = vector.broadcast %jit3A_312 : f32 to vector<16xf32>
      %select_n3A_314 = arith.select %gt3A_311, %gather3A_308, %broadcast_in_dim3A_313 : vector<16xf32>
      %add3A_315 = arith.addf %add3A_292, %select_n3A_314 : vector<16xf32>
      %gt3A_316 = arith.constant 6 : i32
      %gt3A_317 = arith.cmpi sgt, %select_n3A_42, %gt3A_316 : i32
      %jit3A_318 = arith.constant 0.000000e+00 : f32
      %broadcast_in_dim3A_319 = vector.broadcast %jit3A_318 : f32 to vector<16xf32>
      %select_n3A_320 = arith.select %gt3A_317, %gather3A_309, %broadcast_in_dim3A_319 : vector<16xf32>
      %add3A_321 = arith.addf %add3A_298, %select_n3A_320 : vector<16xf32>
      %broadcast_in_dim3A_322 = arith.constant 7 : i32
      %broadcast_in_dim3A_323 = vector.broadcast %broadcast_in_dim3A_322 : i32 to vector<16xi32>
      %get3A_324 = arith.constant 7 : i32
      %get3A_325 = arith.index_cast %get3A_324 : i32 to index
      %get3A_326 = arith.index_cast %multiple_of3A_162 : i32 to index
      %get3A_327 = tpu.vector_load %arg6[%get3A_325, %get3A_326] {strides = array<i32>} : memref<8x2048xi32, #tpu.memory_space<vmem>>, vector<16xi32>,
      %bitcast3A_328 = vector.bitcast %get3A_327 : vector<16xi32> to vector<32xi16>
      %unpack3A_329 = tpu.unpack_subelements %bitcast3A_328, 0 {pack_format = #tpu.pack_format<interleaved>} : vector<32xi16> -> vector<16xi32>
      %unpack3A_330 = tpu.unpack_subelements %bitcast3A_328, 1 {pack_format = #tpu.pack_format<interleaved>} : vector<32xi16> -> vector<16xi32>
      %gather3A_331 = tpu.vector_load_idx %arg5[%broadcast_in_dim3A_323, %unpack3A_329] : memref<8x3375xf32, #tpu.memory_space<vmem>>[vector<16xi32>, vector<16xi32>], vector<16xf32>,
      %gather3A_332 = tpu.vector_load_idx %arg5[%broadcast_in_dim3A_323, %unpack3A_330] : memref<8x3375xf32, #tpu.memory_space<vmem>>[vector<16xi32>, vector<16xi32>], vector<16xf32>,
      %gt3A_333 = arith.constant 7 : i32
      %gt3A_334 = arith.cmpi sgt, %select_n3A_42, %gt3A_333 : i32
      %jit3A_335 = arith.constant 0.000000e+00 : f32
      %broadcast_in_dim3A_336 = vector.broadcast %jit3A_335 : f32 to vector<16xf32>
      %select_n3A_337 = arith.select %gt3A_334, %gather3A_331, %broadcast_in_dim3A_336 : vector<16xf32>
      %add3A_338 = arith.addf %add3A_315, %select_n3A_337 : vector<16xf32>
      %gt3A_339 = arith.constant 7 : i32
      %gt3A_340 = arith.cmpi sgt, %select_n3A_42, %gt3A_339 : i32
      %jit3A_341 = arith.constant 0.000000e+00 : f32
      %broadcast_in_dim3A_342 = vector.broadcast %jit3A_341 : f32 to vector<16xf32>
      %select_n3A_343 = arith.select %gt3A_340, %gather3A_332, %broadcast_in_dim3A_342 : vector<16xf32>
      %add3A_344 = arith.addf %add3A_321, %select_n3A_343 : vector<16xf32>
      %swap3A = arith.index_cast %multiple_of3A : i32 to index
      %swap3A_345 = tpu.vector_load %arg7[%swap3A] {strides = array<i32>} : memref<4096xf32, #tpu.memory_space<vmem>>, vector<16xf32>,
      tpu.vector_store %arg7[%swap3A], %add3A_338 {strides = array<i32>} : memref<4096xf32, #tpu.memory_space<vmem>>, vector<16xf32>,
      %add3A_346 = arith.constant 16 : i32
      %add3A_347 = arith.addi %multiple_of3A, %add3A_346 : i32
      %swap3A_348 = arith.index_cast %add3A_347 : i32 to index
      %swap3A_349 = tpu.vector_load %arg7[%swap3A_348] {strides = array<i32>} : memref<4096xf32, #tpu.memory_space<vmem>>, vector<16xf32>,
      tpu.vector_store %arg7[%swap3A_348], %add3A_344 {strides = array<i32>} : memref<4096xf32, #tpu.memory_space<vmem>>, vector<16xf32>,
      %scan3A_350 = arith.constant 0 : i32
      scf.yield %scan3A_350 : i32
    }
    %scan3A_84 = arith.constant 64 : i32
    %dma_wait3A_85 = arith.constant 0 : i32
    %dma_wait3A_86 = arith.constant 1024 : i32
    %dma_wait3A_87 = tpu.memref_slice %arg6[%dma_wait3A_85, %dma_wait3A_86] : memref<8x2048xi32, #tpu.memory_space<vmem>> -> memref<8x1024xi32, #tpu.memory_space<vmem>>
    %dma_wait3A_88 = tpu.memref_slice %arg2[%select_n3A_37, %add3A_59] : memref<60x8192xi32, #tpu.memory_space<hbm>> -> memref<8x1024xi32, #tpu.memory_space<hbm>>
    %dma_wait3A_89 = arith.constant 0 : i32
    %dma_wait3A_90 = arith.constant 1024 : i32
    %dma_wait3A_91 = tpu.memref_slice %arg6[%dma_wait3A_89, %dma_wait3A_90] : memref<8x2048xi32, #tpu.memory_space<vmem>> -> memref<8x1024xi32, #tpu.memory_space<vmem>>
    %dma_wait3A_92 = tpu.memref_slice %arg2[%select_n3A_37, %add3A_59] : memref<60x8192xi32, #tpu.memory_space<hbm>> -> memref<8x1024xi32, #tpu.memory_space<hbm>>
    tpu.wait_dma2 semaphore(%arg11 : memref<!tpu.dma_semaphore, #tpu.memory_space<semaphore_mem>>) src(%dma_wait3A_92 : memref<8x1024xi32, #tpu.memory_space<hbm>>) dst(%dma_wait3A_91 : memref<8x1024xi32, #tpu.memory_space<vmem>>)
    %scan3A_93 = arith.constant 0 : i32
    %scan3A_94 = arith.constant 64 : i32
    %scan3A_95 = arith.constant 64 : i32
    %scan3A_96 = arith.addi %scan3A_94, %scan3A_95 : i32
    %scan3A_97 = arith.constant 1 : i32
    %scan3A_98 = scf.for %scan3A_154 = %scan3A_94 to %scan3A_96 step %scan3A_97 iter_args(%scan3A_155 = %scan3A_93) -> (i32)  : i32 {
      %mul3A_156 = arith.constant 2 : i32
      %mul3A_157 = arith.muli %scan3A_154, %mul3A_156 : i32
      %mul3A_158 = arith.constant 16 : i32
      %mul3A_159 = arith.muli %mul3A_157, %mul3A_158 : i32
      %multiple_of3A = tpu.assume_multiple %mul3A_159, 32 : i32
      %mul3A_160 = arith.constant 16 : i32
      %mul3A_161 = arith.muli %scan3A_154, %mul3A_160 : i32
      %multiple_of3A_162 = tpu.assume_multiple %mul3A_161, 16 : i32
      %broadcast_in_dim3A = arith.constant 0.000000e+00 : f32
      %broadcast_in_dim3A_163 = vector.broadcast %broadcast_in_dim3A : f32 to vector<16xf32>
      %broadcast_in_dim3A_164 = arith.constant 0.000000e+00 : f32
      %broadcast_in_dim3A_165 = vector.broadcast %broadcast_in_dim3A_164 : f32 to vector<16xf32>
      %broadcast_in_dim3A_166 = arith.constant 0 : i32
      %broadcast_in_dim3A_167 = vector.broadcast %broadcast_in_dim3A_166 : i32 to vector<16xi32>
      %get3A = arith.constant 0 : i32
      %get3A_168 = arith.index_cast %get3A : i32 to index
      %get3A_169 = arith.index_cast %multiple_of3A_162 : i32 to index
      %get3A_170 = tpu.vector_load %arg6[%get3A_168, %get3A_169] {strides = array<i32>} : memref<8x2048xi32, #tpu.memory_space<vmem>>, vector<16xi32>,
      %bitcast3A = vector.bitcast %get3A_170 : vector<16xi32> to vector<32xi16>
      %unpack3A = tpu.unpack_subelements %bitcast3A, 0 {pack_format = #tpu.pack_format<interleaved>} : vector<32xi16> -> vector<16xi32>
      %unpack3A_171 = tpu.unpack_subelements %bitcast3A, 1 {pack_format = #tpu.pack_format<interleaved>} : vector<32xi16> -> vector<16xi32>
      %gather3A = tpu.vector_load_idx %arg5[%broadcast_in_dim3A_167, %unpack3A] : memref<8x3375xf32, #tpu.memory_space<vmem>>[vector<16xi32>, vector<16xi32>], vector<16xf32>,
      %gather3A_172 = tpu.vector_load_idx %arg5[%broadcast_in_dim3A_167, %unpack3A_171] : memref<8x3375xf32, #tpu.memory_space<vmem>>[vector<16xi32>, vector<16xi32>], vector<16xf32>,
      %gt3A = arith.constant 0 : i32
      %gt3A_173 = arith.cmpi sgt, %select_n3A_42, %gt3A : i32
      %jit3A_174 = arith.constant 0.000000e+00 : f32
      %broadcast_in_dim3A_175 = vector.broadcast %jit3A_174 : f32 to vector<16xf32>
      %select_n3A_176 = arith.select %gt3A_173, %gather3A, %broadcast_in_dim3A_175 : vector<16xf32>
      %add3A_177 = arith.addf %broadcast_in_dim3A_163, %select_n3A_176 : vector<16xf32>
      %gt3A_178 = arith.constant 0 : i32
      %gt3A_179 = arith.cmpi sgt, %select_n3A_42, %gt3A_178 : i32
      %jit3A_180 = arith.constant 0.000000e+00 : f32
      %broadcast_in_dim3A_181 = vector.broadcast %jit3A_180 : f32 to vector<16xf32>
      %select_n3A_182 = arith.select %gt3A_179, %gather3A_172, %broadcast_in_dim3A_181 : vector<16xf32>
      %add3A_183 = arith.addf %broadcast_in_dim3A_165, %select_n3A_182 : vector<16xf32>
      %broadcast_in_dim3A_184 = arith.constant 1 : i32
      %broadcast_in_dim3A_185 = vector.broadcast %broadcast_in_dim3A_184 : i32 to vector<16xi32>
      %get3A_186 = arith.constant 1 : i32
      %get3A_187 = arith.index_cast %get3A_186 : i32 to index
      %get3A_188 = arith.index_cast %multiple_of3A_162 : i32 to index
      %get3A_189 = tpu.vector_load %arg6[%get3A_187, %get3A_188] {strides = array<i32>} : memref<8x2048xi32, #tpu.memory_space<vmem>>, vector<16xi32>,
      %bitcast3A_190 = vector.bitcast %get3A_189 : vector<16xi32> to vector<32xi16>
      %unpack3A_191 = tpu.unpack_subelements %bitcast3A_190, 0 {pack_format = #tpu.pack_format<interleaved>} : vector<32xi16> -> vector<16xi32>
      %unpack3A_192 = tpu.unpack_subelements %bitcast3A_190, 1 {pack_format = #tpu.pack_format<interleaved>} : vector<32xi16> -> vector<16xi32>
      %gather3A_193 = tpu.vector_load_idx %arg5[%broadcast_in_dim3A_185, %unpack3A_191] : memref<8x3375xf32, #tpu.memory_space<vmem>>[vector<16xi32>, vector<16xi32>], vector<16xf32>,
      %gather3A_194 = tpu.vector_load_idx %arg5[%broadcast_in_dim3A_185, %unpack3A_192] : memref<8x3375xf32, #tpu.memory_space<vmem>>[vector<16xi32>, vector<16xi32>], vector<16xf32>,
      %gt3A_195 = arith.constant 1 : i32
      %gt3A_196 = arith.cmpi sgt, %select_n3A_42, %gt3A_195 : i32
      %jit3A_197 = arith.constant 0.000000e+00 : f32
      %broadcast_in_dim3A_198 = vector.broadcast %jit3A_197 : f32 to vector<16xf32>
      %select_n3A_199 = arith.select %gt3A_196, %gather3A_193, %broadcast_in_dim3A_198 : vector<16xf32>
      %add3A_200 = arith.addf %add3A_177, %select_n3A_199 : vector<16xf32>
      %gt3A_201 = arith.constant 1 : i32
      %gt3A_202 = arith.cmpi sgt, %select_n3A_42, %gt3A_201 : i32
      %jit3A_203 = arith.constant 0.000000e+00 : f32
      %broadcast_in_dim3A_204 = vector.broadcast %jit3A_203 : f32 to vector<16xf32>
      %select_n3A_205 = arith.select %gt3A_202, %gather3A_194, %broadcast_in_dim3A_204 : vector<16xf32>
      %add3A_206 = arith.addf %add3A_183, %select_n3A_205 : vector<16xf32>
      %broadcast_in_dim3A_207 = arith.constant 2 : i32
      %broadcast_in_dim3A_208 = vector.broadcast %broadcast_in_dim3A_207 : i32 to vector<16xi32>
      %get3A_209 = arith.constant 2 : i32
      %get3A_210 = arith.index_cast %get3A_209 : i32 to index
      %get3A_211 = arith.index_cast %multiple_of3A_162 : i32 to index
      %get3A_212 = tpu.vector_load %arg6[%get3A_210, %get3A_211] {strides = array<i32>} : memref<8x2048xi32, #tpu.memory_space<vmem>>, vector<16xi32>,
      %bitcast3A_213 = vector.bitcast %get3A_212 : vector<16xi32> to vector<32xi16>
      %unpack3A_214 = tpu.unpack_subelements %bitcast3A_213, 0 {pack_format = #tpu.pack_format<interleaved>} : vector<32xi16> -> vector<16xi32>
      %unpack3A_215 = tpu.unpack_subelements %bitcast3A_213, 1 {pack_format = #tpu.pack_format<interleaved>} : vector<32xi16> -> vector<16xi32>
      %gather3A_216 = tpu.vector_load_idx %arg5[%broadcast_in_dim3A_208, %unpack3A_214] : memref<8x3375xf32, #tpu.memory_space<vmem>>[vector<16xi32>, vector<16xi32>], vector<16xf32>,
      %gather3A_217 = tpu.vector_load_idx %arg5[%broadcast_in_dim3A_208, %unpack3A_215] : memref<8x3375xf32, #tpu.memory_space<vmem>>[vector<16xi32>, vector<16xi32>], vector<16xf32>,
      %gt3A_218 = arith.constant 2 : i32
      %gt3A_219 = arith.cmpi sgt, %select_n3A_42, %gt3A_218 : i32
      %jit3A_220 = arith.constant 0.000000e+00 : f32
      %broadcast_in_dim3A_221 = vector.broadcast %jit3A_220 : f32 to vector<16xf32>
      %select_n3A_222 = arith.select %gt3A_219, %gather3A_216, %broadcast_in_dim3A_221 : vector<16xf32>
      %add3A_223 = arith.addf %add3A_200, %select_n3A_222 : vector<16xf32>
      %gt3A_224 = arith.constant 2 : i32
      %gt3A_225 = arith.cmpi sgt, %select_n3A_42, %gt3A_224 : i32
      %jit3A_226 = arith.constant 0.000000e+00 : f32
      %broadcast_in_dim3A_227 = vector.broadcast %jit3A_226 : f32 to vector<16xf32>
      %select_n3A_228 = arith.select %gt3A_225, %gather3A_217, %broadcast_in_dim3A_227 : vector<16xf32>
      %add3A_229 = arith.addf %add3A_206, %select_n3A_228 : vector<16xf32>
      %broadcast_in_dim3A_230 = arith.constant 3 : i32
      %broadcast_in_dim3A_231 = vector.broadcast %broadcast_in_dim3A_230 : i32 to vector<16xi32>
      %get3A_232 = arith.constant 3 : i32
      %get3A_233 = arith.index_cast %get3A_232 : i32 to index
      %get3A_234 = arith.index_cast %multiple_of3A_162 : i32 to index
      %get3A_235 = tpu.vector_load %arg6[%get3A_233, %get3A_234] {strides = array<i32>} : memref<8x2048xi32, #tpu.memory_space<vmem>>, vector<16xi32>,
      %bitcast3A_236 = vector.bitcast %get3A_235 : vector<16xi32> to vector<32xi16>
      %unpack3A_237 = tpu.unpack_subelements %bitcast3A_236, 0 {pack_format = #tpu.pack_format<interleaved>} : vector<32xi16> -> vector<16xi32>
      %unpack3A_238 = tpu.unpack_subelements %bitcast3A_236, 1 {pack_format = #tpu.pack_format<interleaved>} : vector<32xi16> -> vector<16xi32>
      %gather3A_239 = tpu.vector_load_idx %arg5[%broadcast_in_dim3A_231, %unpack3A_237] : memref<8x3375xf32, #tpu.memory_space<vmem>>[vector<16xi32>, vector<16xi32>], vector<16xf32>,
      %gather3A_240 = tpu.vector_load_idx %arg5[%broadcast_in_dim3A_231, %unpack3A_238] : memref<8x3375xf32, #tpu.memory_space<vmem>>[vector<16xi32>, vector<16xi32>], vector<16xf32>,
      %gt3A_241 = arith.constant 3 : i32
      %gt3A_242 = arith.cmpi sgt, %select_n3A_42, %gt3A_241 : i32
      %jit3A_243 = arith.constant 0.000000e+00 : f32
      %broadcast_in_dim3A_244 = vector.broadcast %jit3A_243 : f32 to vector<16xf32>
      %select_n3A_245 = arith.select %gt3A_242, %gather3A_239, %broadcast_in_dim3A_244 : vector<16xf32>
      %add3A_246 = arith.addf %add3A_223, %select_n3A_245 : vector<16xf32>
      %gt3A_247 = arith.constant 3 : i32
      %gt3A_248 = arith.cmpi sgt, %select_n3A_42, %gt3A_247 : i32
      %jit3A_249 = arith.constant 0.000000e+00 : f32
      %broadcast_in_dim3A_250 = vector.broadcast %jit3A_249 : f32 to vector<16xf32>
      %select_n3A_251 = arith.select %gt3A_248, %gather3A_240, %broadcast_in_dim3A_250 : vector<16xf32>
      %add3A_252 = arith.addf %add3A_229, %select_n3A_251 : vector<16xf32>
      %broadcast_in_dim3A_253 = arith.constant 4 : i32
      %broadcast_in_dim3A_254 = vector.broadcast %broadcast_in_dim3A_253 : i32 to vector<16xi32>
      %get3A_255 = arith.constant 4 : i32
      %get3A_256 = arith.index_cast %get3A_255 : i32 to index
      %get3A_257 = arith.index_cast %multiple_of3A_162 : i32 to index
      %get3A_258 = tpu.vector_load %arg6[%get3A_256, %get3A_257] {strides = array<i32>} : memref<8x2048xi32, #tpu.memory_space<vmem>>, vector<16xi32>,
      %bitcast3A_259 = vector.bitcast %get3A_258 : vector<16xi32> to vector<32xi16>
      %unpack3A_260 = tpu.unpack_subelements %bitcast3A_259, 0 {pack_format = #tpu.pack_format<interleaved>} : vector<32xi16> -> vector<16xi32>
      %unpack3A_261 = tpu.unpack_subelements %bitcast3A_259, 1 {pack_format = #tpu.pack_format<interleaved>} : vector<32xi16> -> vector<16xi32>
      %gather3A_262 = tpu.vector_load_idx %arg5[%broadcast_in_dim3A_254, %unpack3A_260] : memref<8x3375xf32, #tpu.memory_space<vmem>>[vector<16xi32>, vector<16xi32>], vector<16xf32>,
      %gather3A_263 = tpu.vector_load_idx %arg5[%broadcast_in_dim3A_254, %unpack3A_261] : memref<8x3375xf32, #tpu.memory_space<vmem>>[vector<16xi32>, vector<16xi32>], vector<16xf32>,
      %gt3A_264 = arith.constant 4 : i32
      %gt3A_265 = arith.cmpi sgt, %select_n3A_42, %gt3A_264 : i32
      %jit3A_266 = arith.constant 0.000000e+00 : f32
      %broadcast_in_dim3A_267 = vector.broadcast %jit3A_266 : f32 to vector<16xf32>
      %select_n3A_268 = arith.select %gt3A_265, %gather3A_262, %broadcast_in_dim3A_267 : vector<16xf32>
      %add3A_269 = arith.addf %add3A_246, %select_n3A_268 : vector<16xf32>
      %gt3A_270 = arith.constant 4 : i32
      %gt3A_271 = arith.cmpi sgt, %select_n3A_42, %gt3A_270 : i32
      %jit3A_272 = arith.constant 0.000000e+00 : f32
      %broadcast_in_dim3A_273 = vector.broadcast %jit3A_272 : f32 to vector<16xf32>
      %select_n3A_274 = arith.select %gt3A_271, %gather3A_263, %broadcast_in_dim3A_273 : vector<16xf32>
      %add3A_275 = arith.addf %add3A_252, %select_n3A_274 : vector<16xf32>
      %broadcast_in_dim3A_276 = arith.constant 5 : i32
      %broadcast_in_dim3A_277 = vector.broadcast %broadcast_in_dim3A_276 : i32 to vector<16xi32>
      %get3A_278 = arith.constant 5 : i32
      %get3A_279 = arith.index_cast %get3A_278 : i32 to index
      %get3A_280 = arith.index_cast %multiple_of3A_162 : i32 to index
      %get3A_281 = tpu.vector_load %arg6[%get3A_279, %get3A_280] {strides = array<i32>} : memref<8x2048xi32, #tpu.memory_space<vmem>>, vector<16xi32>,
      %bitcast3A_282 = vector.bitcast %get3A_281 : vector<16xi32> to vector<32xi16>
      %unpack3A_283 = tpu.unpack_subelements %bitcast3A_282, 0 {pack_format = #tpu.pack_format<interleaved>} : vector<32xi16> -> vector<16xi32>
      %unpack3A_284 = tpu.unpack_subelements %bitcast3A_282, 1 {pack_format = #tpu.pack_format<interleaved>} : vector<32xi16> -> vector<16xi32>
      %gather3A_285 = tpu.vector_load_idx %arg5[%broadcast_in_dim3A_277, %unpack3A_283] : memref<8x3375xf32, #tpu.memory_space<vmem>>[vector<16xi32>, vector<16xi32>], vector<16xf32>,
      %gather3A_286 = tpu.vector_load_idx %arg5[%broadcast_in_dim3A_277, %unpack3A_284] : memref<8x3375xf32, #tpu.memory_space<vmem>>[vector<16xi32>, vector<16xi32>], vector<16xf32>,
      %gt3A_287 = arith.constant 5 : i32
      %gt3A_288 = arith.cmpi sgt, %select_n3A_42, %gt3A_287 : i32
      %jit3A_289 = arith.constant 0.000000e+00 : f32
      %broadcast_in_dim3A_290 = vector.broadcast %jit3A_289 : f32 to vector<16xf32>
      %select_n3A_291 = arith.select %gt3A_288, %gather3A_285, %broadcast_in_dim3A_290 : vector<16xf32>
      %add3A_292 = arith.addf %add3A_269, %select_n3A_291 : vector<16xf32>
      %gt3A_293 = arith.constant 5 : i32
      %gt3A_294 = arith.cmpi sgt, %select_n3A_42, %gt3A_293 : i32
      %jit3A_295 = arith.constant 0.000000e+00 : f32
      %broadcast_in_dim3A_296 = vector.broadcast %jit3A_295 : f32 to vector<16xf32>
      %select_n3A_297 = arith.select %gt3A_294, %gather3A_286, %broadcast_in_dim3A_296 : vector<16xf32>
      %add3A_298 = arith.addf %add3A_275, %select_n3A_297 : vector<16xf32>
      %broadcast_in_dim3A_299 = arith.constant 6 : i32
      %broadcast_in_dim3A_300 = vector.broadcast %broadcast_in_dim3A_299 : i32 to vector<16xi32>
      %get3A_301 = arith.constant 6 : i32
      %get3A_302 = arith.index_cast %get3A_301 : i32 to index
      %get3A_303 = arith.index_cast %multiple_of3A_162 : i32 to index
      %get3A_304 = tpu.vector_load %arg6[%get3A_302, %get3A_303] {strides = array<i32>} : memref<8x2048xi32, #tpu.memory_space<vmem>>, vector<16xi32>,
      %bitcast3A_305 = vector.bitcast %get3A_304 : vector<16xi32> to vector<32xi16>
      %unpack3A_306 = tpu.unpack_subelements %bitcast3A_305, 0 {pack_format = #tpu.pack_format<interleaved>} : vector<32xi16> -> vector<16xi32>
      %unpack3A_307 = tpu.unpack_subelements %bitcast3A_305, 1 {pack_format = #tpu.pack_format<interleaved>} : vector<32xi16> -> vector<16xi32>
      %gather3A_308 = tpu.vector_load_idx %arg5[%broadcast_in_dim3A_300, %unpack3A_306] : memref<8x3375xf32, #tpu.memory_space<vmem>>[vector<16xi32>, vector<16xi32>], vector<16xf32>,
      %gather3A_309 = tpu.vector_load_idx %arg5[%broadcast_in_dim3A_300, %unpack3A_307] : memref<8x3375xf32, #tpu.memory_space<vmem>>[vector<16xi32>, vector<16xi32>], vector<16xf32>,
      %gt3A_310 = arith.constant 6 : i32
      %gt3A_311 = arith.cmpi sgt, %select_n3A_42, %gt3A_310 : i32
      %jit3A_312 = arith.constant 0.000000e+00 : f32
      %broadcast_in_dim3A_313 = vector.broadcast %jit3A_312 : f32 to vector<16xf32>
      %select_n3A_314 = arith.select %gt3A_311, %gather3A_308, %broadcast_in_dim3A_313 : vector<16xf32>
      %add3A_315 = arith.addf %add3A_292, %select_n3A_314 : vector<16xf32>
      %gt3A_316 = arith.constant 6 : i32
      %gt3A_317 = arith.cmpi sgt, %select_n3A_42, %gt3A_316 : i32
      %jit3A_318 = arith.constant 0.000000e+00 : f32
      %broadcast_in_dim3A_319 = vector.broadcast %jit3A_318 : f32 to vector<16xf32>
      %select_n3A_320 = arith.select %gt3A_317, %gather3A_309, %broadcast_in_dim3A_319 : vector<16xf32>
      %add3A_321 = arith.addf %add3A_298, %select_n3A_320 : vector<16xf32>
      %broadcast_in_dim3A_322 = arith.constant 7 : i32
      %broadcast_in_dim3A_323 = vector.broadcast %broadcast_in_dim3A_322 : i32 to vector<16xi32>
      %get3A_324 = arith.constant 7 : i32
      %get3A_325 = arith.index_cast %get3A_324 : i32 to index
      %get3A_326 = arith.index_cast %multiple_of3A_162 : i32 to index
      %get3A_327 = tpu.vector_load %arg6[%get3A_325, %get3A_326] {strides = array<i32>} : memref<8x2048xi32, #tpu.memory_space<vmem>>, vector<16xi32>,
      %bitcast3A_328 = vector.bitcast %get3A_327 : vector<16xi32> to vector<32xi16>
      %unpack3A_329 = tpu.unpack_subelements %bitcast3A_328, 0 {pack_format = #tpu.pack_format<interleaved>} : vector<32xi16> -> vector<16xi32>
      %unpack3A_330 = tpu.unpack_subelements %bitcast3A_328, 1 {pack_format = #tpu.pack_format<interleaved>} : vector<32xi16> -> vector<16xi32>
      %gather3A_331 = tpu.vector_load_idx %arg5[%broadcast_in_dim3A_323, %unpack3A_329] : memref<8x3375xf32, #tpu.memory_space<vmem>>[vector<16xi32>, vector<16xi32>], vector<16xf32>,
      %gather3A_332 = tpu.vector_load_idx %arg5[%broadcast_in_dim3A_323, %unpack3A_330] : memref<8x3375xf32, #tpu.memory_space<vmem>>[vector<16xi32>, vector<16xi32>], vector<16xf32>,
      %gt3A_333 = arith.constant 7 : i32
      %gt3A_334 = arith.cmpi sgt, %select_n3A_42, %gt3A_333 : i32
      %jit3A_335 = arith.constant 0.000000e+00 : f32
      %broadcast_in_dim3A_336 = vector.broadcast %jit3A_335 : f32 to vector<16xf32>
      %select_n3A_337 = arith.select %gt3A_334, %gather3A_331, %broadcast_in_dim3A_336 : vector<16xf32>
      %add3A_338 = arith.addf %add3A_315, %select_n3A_337 : vector<16xf32>
      %gt3A_339 = arith.constant 7 : i32
      %gt3A_340 = arith.cmpi sgt, %select_n3A_42, %gt3A_339 : i32
      %jit3A_341 = arith.constant 0.000000e+00 : f32
      %broadcast_in_dim3A_342 = vector.broadcast %jit3A_341 : f32 to vector<16xf32>
      %select_n3A_343 = arith.select %gt3A_340, %gather3A_332, %broadcast_in_dim3A_342 : vector<16xf32>
      %add3A_344 = arith.addf %add3A_321, %select_n3A_343 : vector<16xf32>
      %swap3A = arith.index_cast %multiple_of3A : i32 to index
      %swap3A_345 = tpu.vector_load %arg7[%swap3A] {strides = array<i32>} : memref<4096xf32, #tpu.memory_space<vmem>>, vector<16xf32>,
      tpu.vector_store %arg7[%swap3A], %add3A_338 {strides = array<i32>} : memref<4096xf32, #tpu.memory_space<vmem>>, vector<16xf32>,
      %add3A_346 = arith.constant 16 : i32
      %add3A_347 = arith.addi %multiple_of3A, %add3A_346 : i32
      %swap3A_348 = arith.index_cast %add3A_347 : i32 to index
      %swap3A_349 = tpu.vector_load %arg7[%swap3A_348] {strides = array<i32>} : memref<4096xf32, #tpu.memory_space<vmem>>, vector<16xf32>,
      tpu.vector_store %arg7[%swap3A_348], %add3A_344 {strides = array<i32>} : memref<4096xf32, #tpu.memory_space<vmem>>, vector<16xf32>,
      %scan3A_350 = arith.constant 0 : i32
      scf.yield %scan3A_350 : i32
    }
    %scan3A_99 = arith.constant 64 : i32
    "tpu.region"() ({
      %run_scoped3A_154 = tpu.sem_alloc : memref<!tpu.dma_semaphore, #tpu.memory_space<semaphore_mem>>
      %dma_start3A_155 = arith.constant 0 : i32
      %dma_start3A_156 = tpu.memref_slice %arg12[%arg1, %dma_start3A_155] : memref<16x4096xf32, #tpu.memory_space<vmem_shared>> -> memref<1x4096xf32, #tpu.memory_space<vmem_shared>>
      %dma_start3A_157 = tpu.memref_squeeze %dma_start3A_156 : memref<1x4096xf32, #tpu.memory_space<vmem_shared>> -> memref<4096xf32, #tpu.memory_space<vmem_shared>>
      %dma_start3A_158 = arith.constant 0 : i32
      %dma_start3A_159 = tpu.memref_slice %arg12[%arg1, %dma_start3A_158] : memref<16x4096xf32, #tpu.memory_space<vmem_shared>> -> memref<1x4096xf32, #tpu.memory_space<vmem_shared>>
      %dma_start3A_160 = tpu.memref_squeeze %dma_start3A_159 : memref<1x4096xf32, #tpu.memory_space<vmem_shared>> -> memref<4096xf32, #tpu.memory_space<vmem_shared>>
      tpu.enqueue_dma source(%arg7 : memref<4096xf32, #tpu.memory_space<vmem>>) target(%dma_start3A_160 : memref<4096xf32, #tpu.memory_space<vmem_shared>>) target_semaphore(%run_scoped3A_154 : memref<!tpu.dma_semaphore, #tpu.memory_space<semaphore_mem>>)
      %dma_wait3A_161 = arith.constant 0 : i32
      %dma_wait3A_162 = tpu.memref_slice %arg12[%arg1, %dma_wait3A_161] : memref<16x4096xf32, #tpu.memory_space<vmem_shared>> -> memref<1x4096xf32, #tpu.memory_space<vmem_shared>>
      %dma_wait3A_163 = tpu.memref_squeeze %dma_wait3A_162 : memref<1x4096xf32, #tpu.memory_space<vmem_shared>> -> memref<4096xf32, #tpu.memory_space<vmem_shared>>
      %dma_wait3A_164 = arith.constant 0 : i32
      %dma_wait3A_165 = tpu.memref_slice %arg12[%arg1, %dma_wait3A_164] : memref<16x4096xf32, #tpu.memory_space<vmem_shared>> -> memref<1x4096xf32, #tpu.memory_space<vmem_shared>>
      %dma_wait3A_166 = tpu.memref_squeeze %dma_wait3A_165 : memref<1x4096xf32, #tpu.memory_space<vmem_shared>> -> memref<4096xf32, #tpu.memory_space<vmem_shared>>
      tpu.wait_dma2 semaphore(%run_scoped3A_154 : memref<!tpu.dma_semaphore, #tpu.memory_space<semaphore_mem>>) src(%arg7 : memref<4096xf32, #tpu.memory_space<vmem>>) dst(%dma_wait3A_166 : memref<4096xf32, #tpu.memory_space<vmem_shared>>)
      tpu.yield
    }) : () -> ()
    %barrier3A = arith.constant 0 : index
    tpu.barrier barrier_id(%barrier3A)
    %add3A_100 = arith.constant 0 : i32
    %add3A_101 = arith.addi %sub3A_31, %add3A_100 : i32
    %mul3A_102 = arith.constant 512 : i32
    %mul3A_103 = arith.muli %select_n3A_7, %mul3A_102 : i32
    %run_scoped3A = arith.constant 0 : i32
    "tpu.region"() ({
      %run_scoped3A_154 = tpu.sem_alloc : memref<!tpu.dma_semaphore, #tpu.memory_space<semaphore_mem>>
      %dma_start3A_155 = arith.constant 0 : i32
      %dma_start3A_156 = tpu.memref_slice %arg8[%run_scoped3A, %dma_start3A_155] : memref<8x512xf32, #tpu.memory_space<vmem>> -> memref<1x512xf32, #tpu.memory_space<vmem>>
      %dma_start3A_157 = tpu.memref_squeeze %dma_start3A_156 : memref<1x512xf32, #tpu.memory_space<vmem>> -> memref<512xf32, #tpu.memory_space<vmem>>
      %dma_start3A_158 = tpu.memref_slice %arg12[%add3A_101, %mul3A_103] : memref<16x4096xf32, #tpu.memory_space<vmem_shared>> -> memref<1x512xf32, #tpu.memory_space<vmem_shared>>
      %dma_start3A_159 = tpu.memref_squeeze %dma_start3A_158 : memref<1x512xf32, #tpu.memory_space<vmem_shared>> -> memref<512xf32, #tpu.memory_space<vmem_shared>>
      %dma_start3A_160 = arith.constant 0 : i32
      %dma_start3A_161 = tpu.memref_slice %arg8[%run_scoped3A, %dma_start3A_160] : memref<8x512xf32, #tpu.memory_space<vmem>> -> memref<1x512xf32, #tpu.memory_space<vmem>>
      %dma_start3A_162 = tpu.memref_squeeze %dma_start3A_161 : memref<1x512xf32, #tpu.memory_space<vmem>> -> memref<512xf32, #tpu.memory_space<vmem>>
      %dma_start3A_163 = tpu.memref_slice %arg12[%add3A_101, %mul3A_103] : memref<16x4096xf32, #tpu.memory_space<vmem_shared>> -> memref<1x512xf32, #tpu.memory_space<vmem_shared>>
      %dma_start3A_164 = tpu.memref_squeeze %dma_start3A_163 : memref<1x512xf32, #tpu.memory_space<vmem_shared>> -> memref<512xf32, #tpu.memory_space<vmem_shared>>
      tpu.enqueue_dma source(%dma_start3A_164 : memref<512xf32, #tpu.memory_space<vmem_shared>>) target(%dma_start3A_162 : memref<512xf32, #tpu.memory_space<vmem>>) target_semaphore(%run_scoped3A_154 : memref<!tpu.dma_semaphore, #tpu.memory_space<semaphore_mem>>)
      %dma_wait3A_165 = arith.constant 0 : i32
      %dma_wait3A_166 = tpu.memref_slice %arg8[%run_scoped3A, %dma_wait3A_165] : memref<8x512xf32, #tpu.memory_space<vmem>> -> memref<1x512xf32, #tpu.memory_space<vmem>>
      %dma_wait3A_167 = tpu.memref_squeeze %dma_wait3A_166 : memref<1x512xf32, #tpu.memory_space<vmem>> -> memref<512xf32, #tpu.memory_space<vmem>>
      %dma_wait3A_168 = tpu.memref_slice %arg12[%add3A_101, %mul3A_103] : memref<16x4096xf32, #tpu.memory_space<vmem_shared>> -> memref<1x512xf32, #tpu.memory_space<vmem_shared>>
      %dma_wait3A_169 = tpu.memref_squeeze %dma_wait3A_168 : memref<1x512xf32, #tpu.memory_space<vmem_shared>> -> memref<512xf32, #tpu.memory_space<vmem_shared>>
      %dma_wait3A_170 = arith.constant 0 : i32
      %dma_wait3A_171 = tpu.memref_slice %arg8[%run_scoped3A, %dma_wait3A_170] : memref<8x512xf32, #tpu.memory_space<vmem>> -> memref<1x512xf32, #tpu.memory_space<vmem>>
      %dma_wait3A_172 = tpu.memref_squeeze %dma_wait3A_171 : memref<1x512xf32, #tpu.memory_space<vmem>> -> memref<512xf32, #tpu.memory_space<vmem>>
      %dma_wait3A_173 = tpu.memref_slice %arg12[%add3A_101, %mul3A_103] : memref<16x4096xf32, #tpu.memory_space<vmem_shared>> -> memref<1x512xf32, #tpu.memory_space<vmem_shared>>
      %dma_wait3A_174 = tpu.memref_squeeze %dma_wait3A_173 : memref<1x512xf32, #tpu.memory_space<vmem_shared>> -> memref<512xf32, #tpu.memory_space<vmem_shared>>
      tpu.wait_dma2 semaphore(%run_scoped3A_154 : memref<!tpu.dma_semaphore, #tpu.memory_space<semaphore_mem>>) src(%dma_wait3A_174 : memref<512xf32, #tpu.memory_space<vmem_shared>>) dst(%dma_wait3A_172 : memref<512xf32, #tpu.memory_space<vmem>>)
      tpu.yield
    }) : () -> ()
    %add3A_104 = arith.constant 1 : i32
    %add3A_105 = arith.addi %sub3A_31, %add3A_104 : i32
    %mul3A_106 = arith.constant 512 : i32
    %mul3A_107 = arith.muli %select_n3A_7, %mul3A_106 : i32
    %run_scoped3A_108 = arith.constant 1 : i32
    "tpu.region"() ({
      %run_scoped3A_154 = tpu.sem_alloc : memref<!tpu.dma_semaphore, #tpu.memory_space<semaphore_mem>>
      %dma_start3A_155 = arith.constant 0 : i32
      %dma_start3A_156 = tpu.memref_slice %arg8[%run_scoped3A_108, %dma_start3A_155] : memref<8x512xf32, #tpu.memory_space<vmem>> -> memref<1x512xf32, #tpu.memory_space<vmem>>
      %dma_start3A_157 = tpu.memref_squeeze %dma_start3A_156 : memref<1x512xf32, #tpu.memory_space<vmem>> -> memref<512xf32, #tpu.memory_space<vmem>>
      %dma_start3A_158 = tpu.memref_slice %arg12[%add3A_105, %mul3A_107] : memref<16x4096xf32, #tpu.memory_space<vmem_shared>> -> memref<1x512xf32, #tpu.memory_space<vmem_shared>>
      %dma_start3A_159 = tpu.memref_squeeze %dma_start3A_158 : memref<1x512xf32, #tpu.memory_space<vmem_shared>> -> memref<512xf32, #tpu.memory_space<vmem_shared>>
      %dma_start3A_160 = arith.constant 0 : i32
      %dma_start3A_161 = tpu.memref_slice %arg8[%run_scoped3A_108, %dma_start3A_160] : memref<8x512xf32, #tpu.memory_space<vmem>> -> memref<1x512xf32, #tpu.memory_space<vmem>>
      %dma_start3A_162 = tpu.memref_squeeze %dma_start3A_161 : memref<1x512xf32, #tpu.memory_space<vmem>> -> memref<512xf32, #tpu.memory_space<vmem>>
      %dma_start3A_163 = tpu.memref_slice %arg12[%add3A_105, %mul3A_107] : memref<16x4096xf32, #tpu.memory_space<vmem_shared>> -> memref<1x512xf32, #tpu.memory_space<vmem_shared>>
      %dma_start3A_164 = tpu.memref_squeeze %dma_start3A_163 : memref<1x512xf32, #tpu.memory_space<vmem_shared>> -> memref<512xf32, #tpu.memory_space<vmem_shared>>
      tpu.enqueue_dma source(%dma_start3A_164 : memref<512xf32, #tpu.memory_space<vmem_shared>>) target(%dma_start3A_162 : memref<512xf32, #tpu.memory_space<vmem>>) target_semaphore(%run_scoped3A_154 : memref<!tpu.dma_semaphore, #tpu.memory_space<semaphore_mem>>)
      %dma_wait3A_165 = arith.constant 0 : i32
      %dma_wait3A_166 = tpu.memref_slice %arg8[%run_scoped3A_108, %dma_wait3A_165] : memref<8x512xf32, #tpu.memory_space<vmem>> -> memref<1x512xf32, #tpu.memory_space<vmem>>
      %dma_wait3A_167 = tpu.memref_squeeze %dma_wait3A_166 : memref<1x512xf32, #tpu.memory_space<vmem>> -> memref<512xf32, #tpu.memory_space<vmem>>
      %dma_wait3A_168 = tpu.memref_slice %arg12[%add3A_105, %mul3A_107] : memref<16x4096xf32, #tpu.memory_space<vmem_shared>> -> memref<1x512xf32, #tpu.memory_space<vmem_shared>>
      %dma_wait3A_169 = tpu.memref_squeeze %dma_wait3A_168 : memref<1x512xf32, #tpu.memory_space<vmem_shared>> -> memref<512xf32, #tpu.memory_space<vmem_shared>>
      %dma_wait3A_170 = arith.constant 0 : i32
      %dma_wait3A_171 = tpu.memref_slice %arg8[%run_scoped3A_108, %dma_wait3A_170] : memref<8x512xf32, #tpu.memory_space<vmem>> -> memref<1x512xf32, #tpu.memory_space<vmem>>
      %dma_wait3A_172 = tpu.memref_squeeze %dma_wait3A_171 : memref<1x512xf32, #tpu.memory_space<vmem>> -> memref<512xf32, #tpu.memory_space<vmem>>
      %dma_wait3A_173 = tpu.memref_slice %arg12[%add3A_105, %mul3A_107] : memref<16x4096xf32, #tpu.memory_space<vmem_shared>> -> memref<1x512xf32, #tpu.memory_space<vmem_shared>>
      %dma_wait3A_174 = tpu.memref_squeeze %dma_wait3A_173 : memref<1x512xf32, #tpu.memory_space<vmem_shared>> -> memref<512xf32, #tpu.memory_space<vmem_shared>>
      tpu.wait_dma2 semaphore(%run_scoped3A_154 : memref<!tpu.dma_semaphore, #tpu.memory_space<semaphore_mem>>) src(%dma_wait3A_174 : memref<512xf32, #tpu.memory_space<vmem_shared>>) dst(%dma_wait3A_172 : memref<512xf32, #tpu.memory_space<vmem>>)
      tpu.yield
    }) : () -> ()
    %add3A_109 = arith.constant 2 : i32
    %add3A_110 = arith.addi %sub3A_31, %add3A_109 : i32
    %mul3A_111 = arith.constant 512 : i32
    %mul3A_112 = arith.muli %select_n3A_7, %mul3A_111 : i32
    %run_scoped3A_113 = arith.constant 2 : i32
    "tpu.region"() ({
      %run_scoped3A_154 = tpu.sem_alloc : memref<!tpu.dma_semaphore, #tpu.memory_space<semaphore_mem>>
      %dma_start3A_155 = arith.constant 0 : i32
      %dma_start3A_156 = tpu.memref_slice %arg8[%run_scoped3A_113, %dma_start3A_155] : memref<8x512xf32, #tpu.memory_space<vmem>> -> memref<1x512xf32, #tpu.memory_space<vmem>>
      %dma_start3A_157 = tpu.memref_squeeze %dma_start3A_156 : memref<1x512xf32, #tpu.memory_space<vmem>> -> memref<512xf32, #tpu.memory_space<vmem>>
      %dma_start3A_158 = tpu.memref_slice %arg12[%add3A_110, %mul3A_112] : memref<16x4096xf32, #tpu.memory_space<vmem_shared>> -> memref<1x512xf32, #tpu.memory_space<vmem_shared>>
      %dma_start3A_159 = tpu.memref_squeeze %dma_start3A_158 : memref<1x512xf32, #tpu.memory_space<vmem_shared>> -> memref<512xf32, #tpu.memory_space<vmem_shared>>
      %dma_start3A_160 = arith.constant 0 : i32
      %dma_start3A_161 = tpu.memref_slice %arg8[%run_scoped3A_113, %dma_start3A_160] : memref<8x512xf32, #tpu.memory_space<vmem>> -> memref<1x512xf32, #tpu.memory_space<vmem>>
      %dma_start3A_162 = tpu.memref_squeeze %dma_start3A_161 : memref<1x512xf32, #tpu.memory_space<vmem>> -> memref<512xf32, #tpu.memory_space<vmem>>
      %dma_start3A_163 = tpu.memref_slice %arg12[%add3A_110, %mul3A_112] : memref<16x4096xf32, #tpu.memory_space<vmem_shared>> -> memref<1x512xf32, #tpu.memory_space<vmem_shared>>
      %dma_start3A_164 = tpu.memref_squeeze %dma_start3A_163 : memref<1x512xf32, #tpu.memory_space<vmem_shared>> -> memref<512xf32, #tpu.memory_space<vmem_shared>>
      tpu.enqueue_dma source(%dma_start3A_164 : memref<512xf32, #tpu.memory_space<vmem_shared>>) target(%dma_start3A_162 : memref<512xf32, #tpu.memory_space<vmem>>) target_semaphore(%run_scoped3A_154 : memref<!tpu.dma_semaphore, #tpu.memory_space<semaphore_mem>>)
      %dma_wait3A_165 = arith.constant 0 : i32
      %dma_wait3A_166 = tpu.memref_slice %arg8[%run_scoped3A_113, %dma_wait3A_165] : memref<8x512xf32, #tpu.memory_space<vmem>> -> memref<1x512xf32, #tpu.memory_space<vmem>>
      %dma_wait3A_167 = tpu.memref_squeeze %dma_wait3A_166 : memref<1x512xf32, #tpu.memory_space<vmem>> -> memref<512xf32, #tpu.memory_space<vmem>>
      %dma_wait3A_168 = tpu.memref_slice %arg12[%add3A_110, %mul3A_112] : memref<16x4096xf32, #tpu.memory_space<vmem_shared>> -> memref<1x512xf32, #tpu.memory_space<vmem_shared>>
      %dma_wait3A_169 = tpu.memref_squeeze %dma_wait3A_168 : memref<1x512xf32, #tpu.memory_space<vmem_shared>> -> memref<512xf32, #tpu.memory_space<vmem_shared>>
      %dma_wait3A_170 = arith.constant 0 : i32
      %dma_wait3A_171 = tpu.memref_slice %arg8[%run_scoped3A_113, %dma_wait3A_170] : memref<8x512xf32, #tpu.memory_space<vmem>> -> memref<1x512xf32, #tpu.memory_space<vmem>>
      %dma_wait3A_172 = tpu.memref_squeeze %dma_wait3A_171 : memref<1x512xf32, #tpu.memory_space<vmem>> -> memref<512xf32, #tpu.memory_space<vmem>>
      %dma_wait3A_173 = tpu.memref_slice %arg12[%add3A_110, %mul3A_112] : memref<16x4096xf32, #tpu.memory_space<vmem_shared>> -> memref<1x512xf32, #tpu.memory_space<vmem_shared>>
      %dma_wait3A_174 = tpu.memref_squeeze %dma_wait3A_173 : memref<1x512xf32, #tpu.memory_space<vmem_shared>> -> memref<512xf32, #tpu.memory_space<vmem_shared>>
      tpu.wait_dma2 semaphore(%run_scoped3A_154 : memref<!tpu.dma_semaphore, #tpu.memory_space<semaphore_mem>>) src(%dma_wait3A_174 : memref<512xf32, #tpu.memory_space<vmem_shared>>) dst(%dma_wait3A_172 : memref<512xf32, #tpu.memory_space<vmem>>)
      tpu.yield
    }) : () -> ()
    %add3A_114 = arith.constant 3 : i32
    %add3A_115 = arith.addi %sub3A_31, %add3A_114 : i32
    %mul3A_116 = arith.constant 512 : i32
    %mul3A_117 = arith.muli %select_n3A_7, %mul3A_116 : i32
    %run_scoped3A_118 = arith.constant 3 : i32
    "tpu.region"() ({
      %run_scoped3A_154 = tpu.sem_alloc : memref<!tpu.dma_semaphore, #tpu.memory_space<semaphore_mem>>
      %dma_start3A_155 = arith.constant 0 : i32
      %dma_start3A_156 = tpu.memref_slice %arg8[%run_scoped3A_118, %dma_start3A_155] : memref<8x512xf32, #tpu.memory_space<vmem>> -> memref<1x512xf32, #tpu.memory_space<vmem>>
      %dma_start3A_157 = tpu.memref_squeeze %dma_start3A_156 : memref<1x512xf32, #tpu.memory_space<vmem>> -> memref<512xf32, #tpu.memory_space<vmem>>
      %dma_start3A_158 = tpu.memref_slice %arg12[%add3A_115, %mul3A_117] : memref<16x4096xf32, #tpu.memory_space<vmem_shared>> -> memref<1x512xf32, #tpu.memory_space<vmem_shared>>
      %dma_start3A_159 = tpu.memref_squeeze %dma_start3A_158 : memref<1x512xf32, #tpu.memory_space<vmem_shared>> -> memref<512xf32, #tpu.memory_space<vmem_shared>>
      %dma_start3A_160 = arith.constant 0 : i32
      %dma_start3A_161 = tpu.memref_slice %arg8[%run_scoped3A_118, %dma_start3A_160] : memref<8x512xf32, #tpu.memory_space<vmem>> -> memref<1x512xf32, #tpu.memory_space<vmem>>
      %dma_start3A_162 = tpu.memref_squeeze %dma_start3A_161 : memref<1x512xf32, #tpu.memory_space<vmem>> -> memref<512xf32, #tpu.memory_space<vmem>>
      %dma_start3A_163 = tpu.memref_slice %arg12[%add3A_115, %mul3A_117] : memref<16x4096xf32, #tpu.memory_space<vmem_shared>> -> memref<1x512xf32, #tpu.memory_space<vmem_shared>>
      %dma_start3A_164 = tpu.memref_squeeze %dma_start3A_163 : memref<1x512xf32, #tpu.memory_space<vmem_shared>> -> memref<512xf32, #tpu.memory_space<vmem_shared>>
      tpu.enqueue_dma source(%dma_start3A_164 : memref<512xf32, #tpu.memory_space<vmem_shared>>) target(%dma_start3A_162 : memref<512xf32, #tpu.memory_space<vmem>>) target_semaphore(%run_scoped3A_154 : memref<!tpu.dma_semaphore, #tpu.memory_space<semaphore_mem>>)
      %dma_wait3A_165 = arith.constant 0 : i32
      %dma_wait3A_166 = tpu.memref_slice %arg8[%run_scoped3A_118, %dma_wait3A_165] : memref<8x512xf32, #tpu.memory_space<vmem>> -> memref<1x512xf32, #tpu.memory_space<vmem>>
      %dma_wait3A_167 = tpu.memref_squeeze %dma_wait3A_166 : memref<1x512xf32, #tpu.memory_space<vmem>> -> memref<512xf32, #tpu.memory_space<vmem>>
      %dma_wait3A_168 = tpu.memref_slice %arg12[%add3A_115, %mul3A_117] : memref<16x4096xf32, #tpu.memory_space<vmem_shared>> -> memref<1x512xf32, #tpu.memory_space<vmem_shared>>
      %dma_wait3A_169 = tpu.memref_squeeze %dma_wait3A_168 : memref<1x512xf32, #tpu.memory_space<vmem_shared>> -> memref<512xf32, #tpu.memory_space<vmem_shared>>
      %dma_wait3A_170 = arith.constant 0 : i32
      %dma_wait3A_171 = tpu.memref_slice %arg8[%run_scoped3A_118, %dma_wait3A_170] : memref<8x512xf32, #tpu.memory_space<vmem>> -> memref<1x512xf32, #tpu.memory_space<vmem>>
      %dma_wait3A_172 = tpu.memref_squeeze %dma_wait3A_171 : memref<1x512xf32, #tpu.memory_space<vmem>> -> memref<512xf32, #tpu.memory_space<vmem>>
      %dma_wait3A_173 = tpu.memref_slice %arg12[%add3A_115, %mul3A_117] : memref<16x4096xf32, #tpu.memory_space<vmem_shared>> -> memref<1x512xf32, #tpu.memory_space<vmem_shared>>
      %dma_wait3A_174 = tpu.memref_squeeze %dma_wait3A_173 : memref<1x512xf32, #tpu.memory_space<vmem_shared>> -> memref<512xf32, #tpu.memory_space<vmem_shared>>
      tpu.wait_dma2 semaphore(%run_scoped3A_154 : memref<!tpu.dma_semaphore, #tpu.memory_space<semaphore_mem>>) src(%dma_wait3A_174 : memref<512xf32, #tpu.memory_space<vmem_shared>>) dst(%dma_wait3A_172 : memref<512xf32, #tpu.memory_space<vmem>>)
      tpu.yield
    }) : () -> ()
    %add3A_119 = arith.constant 4 : i32
    %add3A_120 = arith.addi %sub3A_31, %add3A_119 : i32
    %mul3A_121 = arith.constant 512 : i32
    %mul3A_122 = arith.muli %select_n3A_7, %mul3A_121 : i32
    %run_scoped3A_123 = arith.constant 4 : i32
    "tpu.region"() ({
      %run_scoped3A_154 = tpu.sem_alloc : memref<!tpu.dma_semaphore, #tpu.memory_space<semaphore_mem>>
      %dma_start3A_155 = arith.constant 0 : i32
      %dma_start3A_156 = tpu.memref_slice %arg8[%run_scoped3A_123, %dma_start3A_155] : memref<8x512xf32, #tpu.memory_space<vmem>> -> memref<1x512xf32, #tpu.memory_space<vmem>>
      %dma_start3A_157 = tpu.memref_squeeze %dma_start3A_156 : memref<1x512xf32, #tpu.memory_space<vmem>> -> memref<512xf32, #tpu.memory_space<vmem>>
      %dma_start3A_158 = tpu.memref_slice %arg12[%add3A_120, %mul3A_122] : memref<16x4096xf32, #tpu.memory_space<vmem_shared>> -> memref<1x512xf32, #tpu.memory_space<vmem_shared>>
      %dma_start3A_159 = tpu.memref_squeeze %dma_start3A_158 : memref<1x512xf32, #tpu.memory_space<vmem_shared>> -> memref<512xf32, #tpu.memory_space<vmem_shared>>
      %dma_start3A_160 = arith.constant 0 : i32
      %dma_start3A_161 = tpu.memref_slice %arg8[%run_scoped3A_123, %dma_start3A_160] : memref<8x512xf32, #tpu.memory_space<vmem>> -> memref<1x512xf32, #tpu.memory_space<vmem>>
      %dma_start3A_162 = tpu.memref_squeeze %dma_start3A_161 : memref<1x512xf32, #tpu.memory_space<vmem>> -> memref<512xf32, #tpu.memory_space<vmem>>
      %dma_start3A_163 = tpu.memref_slice %arg12[%add3A_120, %mul3A_122] : memref<16x4096xf32, #tpu.memory_space<vmem_shared>> -> memref<1x512xf32, #tpu.memory_space<vmem_shared>>
      %dma_start3A_164 = tpu.memref_squeeze %dma_start3A_163 : memref<1x512xf32, #tpu.memory_space<vmem_shared>> -> memref<512xf32, #tpu.memory_space<vmem_shared>>
      tpu.enqueue_dma source(%dma_start3A_164 : memref<512xf32, #tpu.memory_space<vmem_shared>>) target(%dma_start3A_162 : memref<512xf32, #tpu.memory_space<vmem>>) target_semaphore(%run_scoped3A_154 : memref<!tpu.dma_semaphore, #tpu.memory_space<semaphore_mem>>)
      %dma_wait3A_165 = arith.constant 0 : i32
      %dma_wait3A_166 = tpu.memref_slice %arg8[%run_scoped3A_123, %dma_wait3A_165] : memref<8x512xf32, #tpu.memory_space<vmem>> -> memref<1x512xf32, #tpu.memory_space<vmem>>
      %dma_wait3A_167 = tpu.memref_squeeze %dma_wait3A_166 : memref<1x512xf32, #tpu.memory_space<vmem>> -> memref<512xf32, #tpu.memory_space<vmem>>
      %dma_wait3A_168 = tpu.memref_slice %arg12[%add3A_120, %mul3A_122] : memref<16x4096xf32, #tpu.memory_space<vmem_shared>> -> memref<1x512xf32, #tpu.memory_space<vmem_shared>>
      %dma_wait3A_169 = tpu.memref_squeeze %dma_wait3A_168 : memref<1x512xf32, #tpu.memory_space<vmem_shared>> -> memref<512xf32, #tpu.memory_space<vmem_shared>>
      %dma_wait3A_170 = arith.constant 0 : i32
      %dma_wait3A_171 = tpu.memref_slice %arg8[%run_scoped3A_123, %dma_wait3A_170] : memref<8x512xf32, #tpu.memory_space<vmem>> -> memref<1x512xf32, #tpu.memory_space<vmem>>
      %dma_wait3A_172 = tpu.memref_squeeze %dma_wait3A_171 : memref<1x512xf32, #tpu.memory_space<vmem>> -> memref<512xf32, #tpu.memory_space<vmem>>
      %dma_wait3A_173 = tpu.memref_slice %arg12[%add3A_120, %mul3A_122] : memref<16x4096xf32, #tpu.memory_space<vmem_shared>> -> memref<1x512xf32, #tpu.memory_space<vmem_shared>>
      %dma_wait3A_174 = tpu.memref_squeeze %dma_wait3A_173 : memref<1x512xf32, #tpu.memory_space<vmem_shared>> -> memref<512xf32, #tpu.memory_space<vmem_shared>>
      tpu.wait_dma2 semaphore(%run_scoped3A_154 : memref<!tpu.dma_semaphore, #tpu.memory_space<semaphore_mem>>) src(%dma_wait3A_174 : memref<512xf32, #tpu.memory_space<vmem_shared>>) dst(%dma_wait3A_172 : memref<512xf32, #tpu.memory_space<vmem>>)
      tpu.yield
    }) : () -> ()
    %add3A_124 = arith.constant 5 : i32
    %add3A_125 = arith.addi %sub3A_31, %add3A_124 : i32
    %mul3A_126 = arith.constant 512 : i32
    %mul3A_127 = arith.muli %select_n3A_7, %mul3A_126 : i32
    %run_scoped3A_128 = arith.constant 5 : i32
    "tpu.region"() ({
      %run_scoped3A_154 = tpu.sem_alloc : memref<!tpu.dma_semaphore, #tpu.memory_space<semaphore_mem>>
      %dma_start3A_155 = arith.constant 0 : i32
      %dma_start3A_156 = tpu.memref_slice %arg8[%run_scoped3A_128, %dma_start3A_155] : memref<8x512xf32, #tpu.memory_space<vmem>> -> memref<1x512xf32, #tpu.memory_space<vmem>>
      %dma_start3A_157 = tpu.memref_squeeze %dma_start3A_156 : memref<1x512xf32, #tpu.memory_space<vmem>> -> memref<512xf32, #tpu.memory_space<vmem>>
      %dma_start3A_158 = tpu.memref_slice %arg12[%add3A_125, %mul3A_127] : memref<16x4096xf32, #tpu.memory_space<vmem_shared>> -> memref<1x512xf32, #tpu.memory_space<vmem_shared>>
      %dma_start3A_159 = tpu.memref_squeeze %dma_start3A_158 : memref<1x512xf32, #tpu.memory_space<vmem_shared>> -> memref<512xf32, #tpu.memory_space<vmem_shared>>
      %dma_start3A_160 = arith.constant 0 : i32
      %dma_start3A_161 = tpu.memref_slice %arg8[%run_scoped3A_128, %dma_start3A_160] : memref<8x512xf32, #tpu.memory_space<vmem>> -> memref<1x512xf32, #tpu.memory_space<vmem>>
      %dma_start3A_162 = tpu.memref_squeeze %dma_start3A_161 : memref<1x512xf32, #tpu.memory_space<vmem>> -> memref<512xf32, #tpu.memory_space<vmem>>
      %dma_start3A_163 = tpu.memref_slice %arg12[%add3A_125, %mul3A_127] : memref<16x4096xf32, #tpu.memory_space<vmem_shared>> -> memref<1x512xf32, #tpu.memory_space<vmem_shared>>
      %dma_start3A_164 = tpu.memref_squeeze %dma_start3A_163 : memref<1x512xf32, #tpu.memory_space<vmem_shared>> -> memref<512xf32, #tpu.memory_space<vmem_shared>>
      tpu.enqueue_dma source(%dma_start3A_164 : memref<512xf32, #tpu.memory_space<vmem_shared>>) target(%dma_start3A_162 : memref<512xf32, #tpu.memory_space<vmem>>) target_semaphore(%run_scoped3A_154 : memref<!tpu.dma_semaphore, #tpu.memory_space<semaphore_mem>>)
      %dma_wait3A_165 = arith.constant 0 : i32
      %dma_wait3A_166 = tpu.memref_slice %arg8[%run_scoped3A_128, %dma_wait3A_165] : memref<8x512xf32, #tpu.memory_space<vmem>> -> memref<1x512xf32, #tpu.memory_space<vmem>>
      %dma_wait3A_167 = tpu.memref_squeeze %dma_wait3A_166 : memref<1x512xf32, #tpu.memory_space<vmem>> -> memref<512xf32, #tpu.memory_space<vmem>>
      %dma_wait3A_168 = tpu.memref_slice %arg12[%add3A_125, %mul3A_127] : memref<16x4096xf32, #tpu.memory_space<vmem_shared>> -> memref<1x512xf32, #tpu.memory_space<vmem_shared>>
      %dma_wait3A_169 = tpu.memref_squeeze %dma_wait3A_168 : memref<1x512xf32, #tpu.memory_space<vmem_shared>> -> memref<512xf32, #tpu.memory_space<vmem_shared>>
      %dma_wait3A_170 = arith.constant 0 : i32
      %dma_wait3A_171 = tpu.memref_slice %arg8[%run_scoped3A_128, %dma_wait3A_170] : memref<8x512xf32, #tpu.memory_space<vmem>> -> memref<1x512xf32, #tpu.memory_space<vmem>>
      %dma_wait3A_172 = tpu.memref_squeeze %dma_wait3A_171 : memref<1x512xf32, #tpu.memory_space<vmem>> -> memref<512xf32, #tpu.memory_space<vmem>>
      %dma_wait3A_173 = tpu.memref_slice %arg12[%add3A_125, %mul3A_127] : memref<16x4096xf32, #tpu.memory_space<vmem_shared>> -> memref<1x512xf32, #tpu.memory_space<vmem_shared>>
      %dma_wait3A_174 = tpu.memref_squeeze %dma_wait3A_173 : memref<1x512xf32, #tpu.memory_space<vmem_shared>> -> memref<512xf32, #tpu.memory_space<vmem_shared>>
      tpu.wait_dma2 semaphore(%run_scoped3A_154 : memref<!tpu.dma_semaphore, #tpu.memory_space<semaphore_mem>>) src(%dma_wait3A_174 : memref<512xf32, #tpu.memory_space<vmem_shared>>) dst(%dma_wait3A_172 : memref<512xf32, #tpu.memory_space<vmem>>)
      tpu.yield
    }) : () -> ()
    %add3A_129 = arith.constant 6 : i32
    %add3A_130 = arith.addi %sub3A_31, %add3A_129 : i32
    %mul3A_131 = arith.constant 512 : i32
    %mul3A_132 = arith.muli %select_n3A_7, %mul3A_131 : i32
    %run_scoped3A_133 = arith.constant 6 : i32
    "tpu.region"() ({
      %run_scoped3A_154 = tpu.sem_alloc : memref<!tpu.dma_semaphore, #tpu.memory_space<semaphore_mem>>
      %dma_start3A_155 = arith.constant 0 : i32
      %dma_start3A_156 = tpu.memref_slice %arg8[%run_scoped3A_133, %dma_start3A_155] : memref<8x512xf32, #tpu.memory_space<vmem>> -> memref<1x512xf32, #tpu.memory_space<vmem>>
      %dma_start3A_157 = tpu.memref_squeeze %dma_start3A_156 : memref<1x512xf32, #tpu.memory_space<vmem>> -> memref<512xf32, #tpu.memory_space<vmem>>
      %dma_start3A_158 = tpu.memref_slice %arg12[%add3A_130, %mul3A_132] : memref<16x4096xf32, #tpu.memory_space<vmem_shared>> -> memref<1x512xf32, #tpu.memory_space<vmem_shared>>
      %dma_start3A_159 = tpu.memref_squeeze %dma_start3A_158 : memref<1x512xf32, #tpu.memory_space<vmem_shared>> -> memref<512xf32, #tpu.memory_space<vmem_shared>>
      %dma_start3A_160 = arith.constant 0 : i32
      %dma_start3A_161 = tpu.memref_slice %arg8[%run_scoped3A_133, %dma_start3A_160] : memref<8x512xf32, #tpu.memory_space<vmem>> -> memref<1x512xf32, #tpu.memory_space<vmem>>
      %dma_start3A_162 = tpu.memref_squeeze %dma_start3A_161 : memref<1x512xf32, #tpu.memory_space<vmem>> -> memref<512xf32, #tpu.memory_space<vmem>>
      %dma_start3A_163 = tpu.memref_slice %arg12[%add3A_130, %mul3A_132] : memref<16x4096xf32, #tpu.memory_space<vmem_shared>> -> memref<1x512xf32, #tpu.memory_space<vmem_shared>>
      %dma_start3A_164 = tpu.memref_squeeze %dma_start3A_163 : memref<1x512xf32, #tpu.memory_space<vmem_shared>> -> memref<512xf32, #tpu.memory_space<vmem_shared>>
      tpu.enqueue_dma source(%dma_start3A_164 : memref<512xf32, #tpu.memory_space<vmem_shared>>) target(%dma_start3A_162 : memref<512xf32, #tpu.memory_space<vmem>>) target_semaphore(%run_scoped3A_154 : memref<!tpu.dma_semaphore, #tpu.memory_space<semaphore_mem>>)
      %dma_wait3A_165 = arith.constant 0 : i32
      %dma_wait3A_166 = tpu.memref_slice %arg8[%run_scoped3A_133, %dma_wait3A_165] : memref<8x512xf32, #tpu.memory_space<vmem>> -> memref<1x512xf32, #tpu.memory_space<vmem>>
      %dma_wait3A_167 = tpu.memref_squeeze %dma_wait3A_166 : memref<1x512xf32, #tpu.memory_space<vmem>> -> memref<512xf32, #tpu.memory_space<vmem>>
      %dma_wait3A_168 = tpu.memref_slice %arg12[%add3A_130, %mul3A_132] : memref<16x4096xf32, #tpu.memory_space<vmem_shared>> -> memref<1x512xf32, #tpu.memory_space<vmem_shared>>
      %dma_wait3A_169 = tpu.memref_squeeze %dma_wait3A_168 : memref<1x512xf32, #tpu.memory_space<vmem_shared>> -> memref<512xf32, #tpu.memory_space<vmem_shared>>
      %dma_wait3A_170 = arith.constant 0 : i32
      %dma_wait3A_171 = tpu.memref_slice %arg8[%run_scoped3A_133, %dma_wait3A_170] : memref<8x512xf32, #tpu.memory_space<vmem>> -> memref<1x512xf32, #tpu.memory_space<vmem>>
      %dma_wait3A_172 = tpu.memref_squeeze %dma_wait3A_171 : memref<1x512xf32, #tpu.memory_space<vmem>> -> memref<512xf32, #tpu.memory_space<vmem>>
      %dma_wait3A_173 = tpu.memref_slice %arg12[%add3A_130, %mul3A_132] : memref<16x4096xf32, #tpu.memory_space<vmem_shared>> -> memref<1x512xf32, #tpu.memory_space<vmem_shared>>
      %dma_wait3A_174 = tpu.memref_squeeze %dma_wait3A_173 : memref<1x512xf32, #tpu.memory_space<vmem_shared>> -> memref<512xf32, #tpu.memory_space<vmem_shared>>
      tpu.wait_dma2 semaphore(%run_scoped3A_154 : memref<!tpu.dma_semaphore, #tpu.memory_space<semaphore_mem>>) src(%dma_wait3A_174 : memref<512xf32, #tpu.memory_space<vmem_shared>>) dst(%dma_wait3A_172 : memref<512xf32, #tpu.memory_space<vmem>>)
      tpu.yield
    }) : () -> ()
    %add3A_134 = arith.constant 7 : i32
    %add3A_135 = arith.addi %sub3A_31, %add3A_134 : i32
    %mul3A_136 = arith.constant 512 : i32
    %mul3A_137 = arith.muli %select_n3A_7, %mul3A_136 : i32
    %run_scoped3A_138 = arith.constant 7 : i32
    "tpu.region"() ({
      %run_scoped3A_154 = tpu.sem_alloc : memref<!tpu.dma_semaphore, #tpu.memory_space<semaphore_mem>>
      %dma_start3A_155 = arith.constant 0 : i32
      %dma_start3A_156 = tpu.memref_slice %arg8[%run_scoped3A_138, %dma_start3A_155] : memref<8x512xf32, #tpu.memory_space<vmem>> -> memref<1x512xf32, #tpu.memory_space<vmem>>
      %dma_start3A_157 = tpu.memref_squeeze %dma_start3A_156 : memref<1x512xf32, #tpu.memory_space<vmem>> -> memref<512xf32, #tpu.memory_space<vmem>>
      %dma_start3A_158 = tpu.memref_slice %arg12[%add3A_135, %mul3A_137] : memref<16x4096xf32, #tpu.memory_space<vmem_shared>> -> memref<1x512xf32, #tpu.memory_space<vmem_shared>>
      %dma_start3A_159 = tpu.memref_squeeze %dma_start3A_158 : memref<1x512xf32, #tpu.memory_space<vmem_shared>> -> memref<512xf32, #tpu.memory_space<vmem_shared>>
      %dma_start3A_160 = arith.constant 0 : i32
      %dma_start3A_161 = tpu.memref_slice %arg8[%run_scoped3A_138, %dma_start3A_160] : memref<8x512xf32, #tpu.memory_space<vmem>> -> memref<1x512xf32, #tpu.memory_space<vmem>>
      %dma_start3A_162 = tpu.memref_squeeze %dma_start3A_161 : memref<1x512xf32, #tpu.memory_space<vmem>> -> memref<512xf32, #tpu.memory_space<vmem>>
      %dma_start3A_163 = tpu.memref_slice %arg12[%add3A_135, %mul3A_137] : memref<16x4096xf32, #tpu.memory_space<vmem_shared>> -> memref<1x512xf32, #tpu.memory_space<vmem_shared>>
      %dma_start3A_164 = tpu.memref_squeeze %dma_start3A_163 : memref<1x512xf32, #tpu.memory_space<vmem_shared>> -> memref<512xf32, #tpu.memory_space<vmem_shared>>
      tpu.enqueue_dma source(%dma_start3A_164 : memref<512xf32, #tpu.memory_space<vmem_shared>>) target(%dma_start3A_162 : memref<512xf32, #tpu.memory_space<vmem>>) target_semaphore(%run_scoped3A_154 : memref<!tpu.dma_semaphore, #tpu.memory_space<semaphore_mem>>)
      %dma_wait3A_165 = arith.constant 0 : i32
      %dma_wait3A_166 = tpu.memref_slice %arg8[%run_scoped3A_138, %dma_wait3A_165] : memref<8x512xf32, #tpu.memory_space<vmem>> -> memref<1x512xf32, #tpu.memory_space<vmem>>
      %dma_wait3A_167 = tpu.memref_squeeze %dma_wait3A_166 : memref<1x512xf32, #tpu.memory_space<vmem>> -> memref<512xf32, #tpu.memory_space<vmem>>
      %dma_wait3A_168 = tpu.memref_slice %arg12[%add3A_135, %mul3A_137] : memref<16x4096xf32, #tpu.memory_space<vmem_shared>> -> memref<1x512xf32, #tpu.memory_space<vmem_shared>>
      %dma_wait3A_169 = tpu.memref_squeeze %dma_wait3A_168 : memref<1x512xf32, #tpu.memory_space<vmem_shared>> -> memref<512xf32, #tpu.memory_space<vmem_shared>>
      %dma_wait3A_170 = arith.constant 0 : i32
      %dma_wait3A_171 = tpu.memref_slice %arg8[%run_scoped3A_138, %dma_wait3A_170] : memref<8x512xf32, #tpu.memory_space<vmem>> -> memref<1x512xf32, #tpu.memory_space<vmem>>
      %dma_wait3A_172 = tpu.memref_squeeze %dma_wait3A_171 : memref<1x512xf32, #tpu.memory_space<vmem>> -> memref<512xf32, #tpu.memory_space<vmem>>
      %dma_wait3A_173 = tpu.memref_slice %arg12[%add3A_135, %mul3A_137] : memref<16x4096xf32, #tpu.memory_space<vmem_shared>> -> memref<1x512xf32, #tpu.memory_space<vmem_shared>>
      %dma_wait3A_174 = tpu.memref_squeeze %dma_wait3A_173 : memref<1x512xf32, #tpu.memory_space<vmem_shared>> -> memref<512xf32, #tpu.memory_space<vmem_shared>>
      tpu.wait_dma2 semaphore(%run_scoped3A_154 : memref<!tpu.dma_semaphore, #tpu.memory_space<semaphore_mem>>) src(%dma_wait3A_174 : memref<512xf32, #tpu.memory_space<vmem_shared>>) dst(%dma_wait3A_172 : memref<512xf32, #tpu.memory_space<vmem>>)
      tpu.yield
    }) : () -> ()
    %iota3A = tpu.iota {dimensions = array<i32: 0>} : vector<16xi32>
    %mul3A_139 = arith.constant 2 : i32
    %mul3A_140 = vector.broadcast %mul3A_139 : i32 to vector<16xi32>
    %mul3A_141 = arith.muli %mul3A_140, %iota3A : vector<16xi32>
    %scan3A_142 = arith.constant 0 : i32
    %scan3A_143 = arith.constant 0 : i32
    %scan3A_144 = arith.constant 16 : i32
    %scan3A_145 = arith.addi %scan3A_143, %scan3A_144 : i32
    %scan3A_146 = arith.constant 1 : i32
    %scan3A_147 = scf.for %scan3A_154 = %scan3A_143 to %scan3A_145 step %scan3A_146 iter_args(%scan3A_155 = %scan3A_142) -> (i32)  : i32 {
      %mul3A_156 = arith.constant 2 : i32
      %mul3A_157 = arith.muli %scan3A_154, %mul3A_156 : i32
      %mul3A_158 = arith.constant 16 : i32
      %mul3A_159 = arith.muli %mul3A_157, %mul3A_158 : i32
      %multiple_of3A = tpu.assume_multiple %mul3A_159, 32 : i32
      %broadcast_in_dim3A = arith.constant 0.000000e+00 : f32
      %broadcast_in_dim3A_160 = vector.broadcast %broadcast_in_dim3A : f32 to vector<16xf32>
      %broadcast_in_dim3A_161 = arith.constant 0.000000e+00 : f32
      %broadcast_in_dim3A_162 = vector.broadcast %broadcast_in_dim3A_161 : f32 to vector<16xf32>
      %get3A = arith.constant 0 : i32
      %get3A_163 = arith.index_cast %get3A : i32 to index
      %get3A_164 = arith.index_cast %multiple_of3A : i32 to index
      %get3A_165 = tpu.vector_load %arg8[%get3A_163, %get3A_164] {strides = array<i32>} : memref<8x512xf32, #tpu.memory_space<vmem>>, vector<16xf32>,
      %add3A_166 = arith.addf %broadcast_in_dim3A_160, %get3A_165 : vector<16xf32>
      %add3A_167 = arith.constant 16 : i32
      %add3A_168 = arith.addi %multiple_of3A, %add3A_167 : i32
      %get3A_169 = arith.constant 0 : i32
      %get3A_170 = arith.index_cast %get3A_169 : i32 to index
      %get3A_171 = arith.index_cast %add3A_168 : i32 to index
      %get3A_172 = tpu.vector_load %arg8[%get3A_170, %get3A_171] {strides = array<i32>} : memref<8x512xf32, #tpu.memory_space<vmem>>, vector<16xf32>,
      %add3A_173 = arith.addf %broadcast_in_dim3A_162, %get3A_172 : vector<16xf32>
      %get3A_174 = arith.constant 1 : i32
      %get3A_175 = arith.index_cast %get3A_174 : i32 to index
      %get3A_176 = arith.index_cast %multiple_of3A : i32 to index
      %get3A_177 = tpu.vector_load %arg8[%get3A_175, %get3A_176] {strides = array<i32>} : memref<8x512xf32, #tpu.memory_space<vmem>>, vector<16xf32>,
      %add3A_178 = arith.addf %add3A_166, %get3A_177 : vector<16xf32>
      %add3A_179 = arith.constant 16 : i32
      %add3A_180 = arith.addi %multiple_of3A, %add3A_179 : i32
      %get3A_181 = arith.constant 1 : i32
      %get3A_182 = arith.index_cast %get3A_181 : i32 to index
      %get3A_183 = arith.index_cast %add3A_180 : i32 to index
      %get3A_184 = tpu.vector_load %arg8[%get3A_182, %get3A_183] {strides = array<i32>} : memref<8x512xf32, #tpu.memory_space<vmem>>, vector<16xf32>,
      %add3A_185 = arith.addf %add3A_173, %get3A_184 : vector<16xf32>
      %get3A_186 = arith.constant 2 : i32
      %get3A_187 = arith.index_cast %get3A_186 : i32 to index
      %get3A_188 = arith.index_cast %multiple_of3A : i32 to index
      %get3A_189 = tpu.vector_load %arg8[%get3A_187, %get3A_188] {strides = array<i32>} : memref<8x512xf32, #tpu.memory_space<vmem>>, vector<16xf32>,
      %add3A_190 = arith.addf %add3A_178, %get3A_189 : vector<16xf32>
      %add3A_191 = arith.constant 16 : i32
      %add3A_192 = arith.addi %multiple_of3A, %add3A_191 : i32
      %get3A_193 = arith.constant 2 : i32
      %get3A_194 = arith.index_cast %get3A_193 : i32 to index
      %get3A_195 = arith.index_cast %add3A_192 : i32 to index
      %get3A_196 = tpu.vector_load %arg8[%get3A_194, %get3A_195] {strides = array<i32>} : memref<8x512xf32, #tpu.memory_space<vmem>>, vector<16xf32>,
      %add3A_197 = arith.addf %add3A_185, %get3A_196 : vector<16xf32>
      %get3A_198 = arith.constant 3 : i32
      %get3A_199 = arith.index_cast %get3A_198 : i32 to index
      %get3A_200 = arith.index_cast %multiple_of3A : i32 to index
      %get3A_201 = tpu.vector_load %arg8[%get3A_199, %get3A_200] {strides = array<i32>} : memref<8x512xf32, #tpu.memory_space<vmem>>, vector<16xf32>,
      %add3A_202 = arith.addf %add3A_190, %get3A_201 : vector<16xf32>
      %add3A_203 = arith.constant 16 : i32
      %add3A_204 = arith.addi %multiple_of3A, %add3A_203 : i32
      %get3A_205 = arith.constant 3 : i32
      %get3A_206 = arith.index_cast %get3A_205 : i32 to index
      %get3A_207 = arith.index_cast %add3A_204 : i32 to index
      %get3A_208 = tpu.vector_load %arg8[%get3A_206, %get3A_207] {strides = array<i32>} : memref<8x512xf32, #tpu.memory_space<vmem>>, vector<16xf32>,
      %add3A_209 = arith.addf %add3A_197, %get3A_208 : vector<16xf32>
      %get3A_210 = arith.constant 4 : i32
      %get3A_211 = arith.index_cast %get3A_210 : i32 to index
      %get3A_212 = arith.index_cast %multiple_of3A : i32 to index
      %get3A_213 = tpu.vector_load %arg8[%get3A_211, %get3A_212] {strides = array<i32>} : memref<8x512xf32, #tpu.memory_space<vmem>>, vector<16xf32>,
      %add3A_214 = arith.addf %add3A_202, %get3A_213 : vector<16xf32>
      %add3A_215 = arith.constant 16 : i32
      %add3A_216 = arith.addi %multiple_of3A, %add3A_215 : i32
      %get3A_217 = arith.constant 4 : i32
      %get3A_218 = arith.index_cast %get3A_217 : i32 to index
      %get3A_219 = arith.index_cast %add3A_216 : i32 to index
      %get3A_220 = tpu.vector_load %arg8[%get3A_218, %get3A_219] {strides = array<i32>} : memref<8x512xf32, #tpu.memory_space<vmem>>, vector<16xf32>,
      %add3A_221 = arith.addf %add3A_209, %get3A_220 : vector<16xf32>
      %get3A_222 = arith.constant 5 : i32
      %get3A_223 = arith.index_cast %get3A_222 : i32 to index
      %get3A_224 = arith.index_cast %multiple_of3A : i32 to index
      %get3A_225 = tpu.vector_load %arg8[%get3A_223, %get3A_224] {strides = array<i32>} : memref<8x512xf32, #tpu.memory_space<vmem>>, vector<16xf32>,
      %add3A_226 = arith.addf %add3A_214, %get3A_225 : vector<16xf32>
      %add3A_227 = arith.constant 16 : i32
      %add3A_228 = arith.addi %multiple_of3A, %add3A_227 : i32
      %get3A_229 = arith.constant 5 : i32
      %get3A_230 = arith.index_cast %get3A_229 : i32 to index
      %get3A_231 = arith.index_cast %add3A_228 : i32 to index
      %get3A_232 = tpu.vector_load %arg8[%get3A_230, %get3A_231] {strides = array<i32>} : memref<8x512xf32, #tpu.memory_space<vmem>>, vector<16xf32>,
      %add3A_233 = arith.addf %add3A_221, %get3A_232 : vector<16xf32>
      %get3A_234 = arith.constant 6 : i32
      %get3A_235 = arith.index_cast %get3A_234 : i32 to index
      %get3A_236 = arith.index_cast %multiple_of3A : i32 to index
      %get3A_237 = tpu.vector_load %arg8[%get3A_235, %get3A_236] {strides = array<i32>} : memref<8x512xf32, #tpu.memory_space<vmem>>, vector<16xf32>,
      %add3A_238 = arith.addf %add3A_226, %get3A_237 : vector<16xf32>
      %add3A_239 = arith.constant 16 : i32
      %add3A_240 = arith.addi %multiple_of3A, %add3A_239 : i32
      %get3A_241 = arith.constant 6 : i32
      %get3A_242 = arith.index_cast %get3A_241 : i32 to index
      %get3A_243 = arith.index_cast %add3A_240 : i32 to index
      %get3A_244 = tpu.vector_load %arg8[%get3A_242, %get3A_243] {strides = array<i32>} : memref<8x512xf32, #tpu.memory_space<vmem>>, vector<16xf32>,
      %add3A_245 = arith.addf %add3A_233, %get3A_244 : vector<16xf32>
      %get3A_246 = arith.constant 7 : i32
      %get3A_247 = arith.index_cast %get3A_246 : i32 to index
      %get3A_248 = arith.index_cast %multiple_of3A : i32 to index
      %get3A_249 = tpu.vector_load %arg8[%get3A_247, %get3A_248] {strides = array<i32>} : memref<8x512xf32, #tpu.memory_space<vmem>>, vector<16xf32>,
      %add3A_250 = arith.addf %add3A_238, %get3A_249 : vector<16xf32>
      %add3A_251 = arith.constant 16 : i32
      %add3A_252 = arith.addi %multiple_of3A, %add3A_251 : i32
      %get3A_253 = arith.constant 7 : i32
      %get3A_254 = arith.index_cast %get3A_253 : i32 to index
      %get3A_255 = arith.index_cast %add3A_252 : i32 to index
      %get3A_256 = tpu.vector_load %arg8[%get3A_254, %get3A_255] {strides = array<i32>} : memref<8x512xf32, #tpu.memory_space<vmem>>, vector<16xf32>,
      %add3A_257 = arith.addf %add3A_245, %get3A_256 : vector<16xf32>
      %add3A_258 = vector.broadcast %multiple_of3A : i32 to vector<16xi32>
      %add3A_259 = arith.addi %add3A_258, %mul3A_141 : vector<16xi32>
      tpu.vector_store_idx %arg7[%add3A_259], %add3A_250 : memref<4096xf32, #tpu.memory_space<vmem>>[vector<16xi32>], vector<16xf32>,
      %add3A_260 = arith.constant 1 : i32
      %add3A_261 = arith.addi %multiple_of3A, %add3A_260 : i32
      %add3A_262 = vector.broadcast %add3A_261 : i32 to vector<16xi32>
      %add3A_263 = arith.addi %add3A_262, %mul3A_141 : vector<16xi32>
      tpu.vector_store_idx %arg7[%add3A_263], %add3A_257 : memref<4096xf32, #tpu.memory_space<vmem>>[vector<16xi32>], vector<16xf32>,
      %scan3A_264 = arith.constant 0 : i32
      scf.yield %scan3A_264 : i32
    }
    %scan3A_148 = arith.constant 16 : i32
    %mul3A_149 = arith.constant 4096 : i32
    %mul3A_150 = arith.muli %add3A_30, %mul3A_149 : i32
    %mul3A_151 = arith.constant 512 : i32
    %mul3A_152 = arith.muli %select_n3A_7, %mul3A_151 : i32
    %add3A_153 = arith.addi %mul3A_150, %mul3A_152 : i32
    "tpu.region"() ({
      %run_scoped3A_154 = tpu.sem_alloc : memref<!tpu.dma_semaphore, #tpu.memory_space<semaphore_mem>>
      %dma_start3A_155 = arith.constant 0 : i32
      %dma_start3A_156 = tpu.memref_slice %arg7[%dma_start3A_155] : memref<4096xf32, #tpu.memory_space<vmem>> -> memref<512xf32, #tpu.memory_space<vmem>>
      %dma_start3A_157 = tpu.memref_slice %arg4[%add3A_153] : memref<16384xf32, #tpu.memory_space<hbm>> -> memref<512xf32, #tpu.memory_space<hbm>>
      %dma_start3A_158 = tpu.memref_slice %arg4[%add3A_153] : memref<16384xf32, #tpu.memory_space<hbm>> -> memref<512xf32, #tpu.memory_space<hbm>>
      %dma_start3A_159 = arith.constant 0 : i32
      %dma_start3A_160 = tpu.memref_slice %arg7[%dma_start3A_159] : memref<4096xf32, #tpu.memory_space<vmem>> -> memref<512xf32, #tpu.memory_space<vmem>>
      tpu.enqueue_dma source(%dma_start3A_160 : memref<512xf32, #tpu.memory_space<vmem>>) target(%dma_start3A_158 : memref<512xf32, #tpu.memory_space<hbm>>) target_semaphore(%run_scoped3A_154 : memref<!tpu.dma_semaphore, #tpu.memory_space<semaphore_mem>>)
      %dma_wait3A_161 = arith.constant 0 : i32
      %dma_wait3A_162 = tpu.memref_slice %arg7[%dma_wait3A_161] : memref<4096xf32, #tpu.memory_space<vmem>> -> memref<512xf32, #tpu.memory_space<vmem>>
      %dma_wait3A_163 = tpu.memref_slice %arg4[%add3A_153] : memref<16384xf32, #tpu.memory_space<hbm>> -> memref<512xf32, #tpu.memory_space<hbm>>
      %dma_wait3A_164 = tpu.memref_slice %arg4[%add3A_153] : memref<16384xf32, #tpu.memory_space<hbm>> -> memref<512xf32, #tpu.memory_space<hbm>>
      %dma_wait3A_165 = arith.constant 0 : i32
      %dma_wait3A_166 = tpu.memref_slice %arg7[%dma_wait3A_165] : memref<4096xf32, #tpu.memory_space<vmem>> -> memref<512xf32, #tpu.memory_space<vmem>>
      tpu.wait_dma2 semaphore(%run_scoped3A_154 : memref<!tpu.dma_semaphore, #tpu.memory_space<semaphore_mem>>) src(%dma_wait3A_166 : memref<512xf32, #tpu.memory_space<vmem>>) dst(%dma_wait3A_164 : memref<512xf32, #tpu.memory_space<hbm>>)
      tpu.yield
    }) : () -> ()
    return
  }
}

</mosaic_0001>

<sc_bundles>
// kernel: _sc_call.3.cloned.1.call-start
scs
__scs_entry_jumppad:
0x0: {  	(pc) =	sbr.rel $0x88, $3  }
0x1: {  	(tag) =	ssettag $0x0;
	lr =	simm.s32 $0x1  }
0x2: {  	[smem:$0x3F9F] =	sst lr;
	_ =	strace $0xD0000000  }
0x3: {  	_ = 	snop  }
0x4: {  	_ = 	snop  }
0x5: {  	_ = 	snop  }
0x6: {  	_ = 	snop  }
0x7: {  	_ = 	snop  }
__scs_overlays_trampoline_lowered:
0x8: {  	[smem:$0x3FAE] =	sst s0  }
0x9: {  	[smem:$0x3FAF] =	sst s1  }
0xa: {  	[smem:$0x3FB0] =	sst s2  }
0xb: {  	[smem:$0x3FB1] =	sst s3  }
0xc: {  	[smem:$0x3FB2] =	sst s4  }
0xd: {  	[smem:$0x3FB3] =	sst s5  }
0xe: {  	[smem:$0x3FB4] =	sst s6  }
0xf: {  	[smem:$0x3FB5] =	sst s7  }
0x10: {  	[smem:$0x3FB6] =	sst s8  }
0x11: {  	[smem:$0x3FB7] =	sst s9;
	s0 =	simm.s32 @!p0 $0x0  }
0x12: {  	s1 =	sld [smem:$0x3F9D];
	s0 =	simm.s32 @p0 $0x1  }
0x13: {  	[smem:$0x3FB8] =	sst s0;
	s0 =	simm.s32 @!p1 $0x0  }
0x14: {  	s2 =	sld [smem:$0x3F9C];
	s0 =	simm.s32 @p1 $0x1  }
0x15: {  	[smem:$0x3FB9] =	sst s0;
	s0 =	simm.s32 @!p2 $0x0  }
0x16: {  	s3 =	sld [smem:$0x3FDB];
	s0 =	simm.s32 @p2 $0x1  }
0x17: {  	s4 =	simm.s32 $0x1BF5;
	[smem:$0x3FBB] =	sst s0  }
0x18: {  	s0 =	sld [smem:$0x3F9E];
	_ =	swait.ge [sflag:s4], $0x0  }
0x19: {  	s7 =	sld [smem:$0x3F9F]  }
0x1a: {  	s8 =	sadd.s32 $0xFFFFE003, lr  }
0x1b: {  	s9 =	sadd.s32 $0xFFFFFEF7, lr;
	s5 =	simm.s32 $0xFFFFFFFF;
	p2 =	slt.u32 s8, $0xFFFFF086  }
0x1c: {  	p1 =	slt.u32 s9, $0xF7A;
	s5 =	simm.s32 @!p2 $0x0  }
0x1d: {  	s5 =	simm.s32 @p1 $0x1;
	p0 =	seq.s32 s7, s2  }
0x1e: {  	s7 =	smul.u32 @!p0 $0xF7A, s2;
	p2 =	seq.s32 @!p0 s5, $0x0  }
0x1f: {  	s9 =	smul.u32 $0xF7A, s1;
	s8 =	simm.s32 @!p0 $0x1BF5;
	p2 =	por !p2, p0  }
0x20: {  	[sflag:s8] =	ssyncset.s32 @!p0 $0xFFFFF086;
	s6 =	sadd.s32 @!p0 s3, s7;
	s7 =	simm.s32 @!p0 $0x108  }
0x21: {  	s3 =	sadd.s32 s3, s9;
	s6 =	sadd.s32 @!p0 $0x88, s6;
	s7 =	simm.s32 @p2 $0x1082  }
0x22: {  	[simem:s7], [sflag:s8] =	dma.local @!p0 [hbm:s6], $0xF7A  }
0x23: {  	s9 =	sor.u32 $0xD0000000, s2;
	s6 =	simm.s32 $0x108;
	_ =	swait.ge @!p0 [sflag:s8], $0x0  }
0x24: {  	s3 =	sadd.s32 $0x88, s3;
	s6 =	simm.s32 @!p1 $0x1082;
	[sflag:s4] =	ssyncset.s32 $0xFFFFF086  }
0x25: {  	[simem:s6], [sflag:s4] =	dma.local [hbm:s3], $0xF7A  }
0x26: {  	[smem:$0x3F9F] =	sst s1;
	(tag) =	ssettag s2;
	_ =	strace s9  }
0x27: {  	s1 =	sld [smem:$0x3FAF]  }
0x28: {  	s2 =	sld [smem:$0x3FB0]  }
0x29: {  	s4 =	sld [smem:$0x3FB2]  }
0x2a: {  	p0 =	seq.s32 s5, $0x0;
	s5 =	sld [smem:$0x3FB3]  }
0x2b: {  	s6 =	sld [smem:$0x3FB4]  }
0x2c: {  	s7 =	sld [smem:$0x3FB5]  }
0x2d: {  	s3 =	simm.s32 $0x108;
	s8 =	sld [smem:$0x3FB6]  }
0x2e: {  	s3 =	simm.s32 @!p0 $0x1082;
	s9 =	sld [smem:$0x3FB7]  }
0x2f: {  	lr =	sadd.s32 s0, s3;
	s0 =	sld [smem:$0x3FAE]  }
0x30: {  	s3 =	sld [smem:$0x3FB1]  }
0x31: {  	[smem:$0x3FBA] =	sst s10  }
0x32: {  	s10 =	sld [smem:$0x3FB8];
	_ =	sdelay $0x3  }
0x33: {  	p0 =	seq.s32 s10, $0x1;
	s10 =	sld [smem:$0x3FBA];
	_ =	sdelay $0x3  }
0x34: {  	[smem:$0x3FBA] =	sst s10  }
0x35: {  	s10 =	sld [smem:$0x3FB9];
	_ =	sdelay $0x3  }
0x36: {  	p1 =	seq.s32 s10, $0x1;
	s10 =	sld [smem:$0x3FBA];
	_ =	sdelay $0x3  }
0x37: {  	[smem:$0x3FBA] =	sst s10  }
0x38: {  	s10 =	sld [smem:$0x3FBB]  }
0x39: {  	_ = 	snop;
	(pc) =	sbr.ind lr, $3  }
0x3a: {  	_ = 	snop  }
0x3b: {  	_ = 	snop  }
0x3c: {  	p2 =	seq.s32 s10, $0x1;
	s10 =	sld [smem:$0x3FBA]  }
0x3d: {  	_ =	shalt  }
0x3e: {  	_ =	shalt  }
0x3f: {  	_ =	shalt  }
0x40: {  	_ =	shalt  }
0x41: {  	_ =	shalt  }
0x42: {  	_ =	shalt  }
0x43: {  	_ =	shalt  }
0x44: {  	_ =	shalt  }
0x45: {  	_ =	shalt  }
0x46: {  	_ =	shalt  }
0x47: {  	_ =	shalt  }
0x48: {  	_ =	shalt  }
0x49: {  	_ =	shalt  }
0x4a: {  	_ =	shalt  }
0x4b: {  	_ =	shalt  }
0x4c: {  	_ =	shalt  }
0x4d: {  	_ =	shalt  }
0x4e: {  	_ =	shalt  }
0x4f: {  	_ =	shalt  }
0x50: {  	_ =	shalt  }
0x51: {  	_ =	shalt  }
0x52: {  	_ =	shalt  }
0x53: {  	_ =	shalt  }
0x54: {  	_ =	shalt  }
0x55: {  	_ =	shalt  }
0x56: {  	_ =	shalt  }
0x57: {  	_ =	shalt  }
0x58: {  	_ =	shalt  }
0x59: {  	_ =	shalt  }
0x5a: {  	_ =	shalt  }
0x5b: {  	_ =	shalt  }
0x5c: {  	_ =	shalt  }
0x5d: {  	_ =	shalt  }
0x5e: {  	_ =	shalt  }
0x5f: {  	_ =	shalt  }
0x60: {  	_ =	shalt  }
0x61: {  	_ =	shalt  }
0x62: {  	_ =	shalt  }
0x63: {  	_ =	shalt  }
0x64: {  	_ =	shalt  }
0x65: {  	_ =	shalt  }
0x66: {  	_ =	shalt  }
0x67: {  	_ =	shalt  }
0x68: {  	_ =	shalt  }
0x69: {  	_ =	shalt  }
0x6a: {  	_ =	shalt  }
0x6b: {  	_ =	shalt  }
0x6c: {  	_ =	shalt  }
0x6d: {  	_ =	shalt  }
0x6e: {  	_ =	shalt  }
0x6f: {  	_ =	shalt  }
0x70: {  	_ =	shalt  }
0x71: {  	_ =	shalt  }
0x72: {  	_ =	shalt  }
0x73: {  	_ =	shalt  }
0x74: {  	_ =	shalt  }
0x75: {  	_ =	shalt  }
0x76: {  	_ =	shalt  }
0x77: {  	_ =	shalt  }
0x78: {  	_ =	shalt  }
0x79: {  	_ =	shalt  }
0x7a: {  	_ =	shalt  }
0x7b: {  	_ =	shalt  }
0x7c: {  	_ =	shalt  }
0x7d: {  	_ =	shalt  }
0x7e: {  	_ =	shalt  }
0x7f: {  	_ =	shalt  }
0x80: {  	_ =	shalt  }
0x81: {  	_ =	shalt  }
0x82: {  	_ =	shalt  }
0x83: {  	_ =	shalt  }
0x84: {  	_ =	shalt  }
0x85: {  	_ =	shalt  }
0x86: {  	_ =	shalt  }
0x87: {  	_ =	shalt  }
.Lfunc_end0:
.L_simem_size_0:
called_computation_lowered:
.L_overlay_start_0:
0x88: {  	s2 =	sld [smem:$0x3FD9]  }
0x89: {  	s3 =	sld [smem:$0x3FFE];
	_ =	sdelay $0x1  }
0x8a: {  	s1 =	srdreg.scid  }
0x8b: {  	s0 =	sand.u32 $0x1, s1  }
0x8c: {  	s17 =	sshll.u32 s0, $0xA;
	s2 =	sadd.s32 s3, s2  }
0x8d: {  	s2 =	sadd.s32 s2, s17  }
0x8e: {  	[smem:$0x3FC6] =	sst s2  }
0x8f: {  	_ = 	snop  }
0x90: {  	s2 =	sld [smem:$0x3FD0];
	(tm) =	ssettm $0x1  }
0x91: {  	s18 =	sld [smem:$0x3FFB];
	_ =	sdelay $0x3  }
0x92: {  	_ =	strace s18  }
0x93: {  	s3 =	sld [smem:$0x3FFC];
	_ =	sdelay $0x3  }
0x94: {  	_ =	strace s3  }
0x95: {  	s3 =	sld [smem:$0x3FFD];
	_ =	sdelay $0x3  }
0x96: {  	_ =	strace s3  }
0x97: {  	_ =	strace $0x8FFFFFFF  }
0x98: {  	s19 =	sld [smem:$0x3FDB];
	_ =	sdelay $0x1  }
0x99: {  	s4 =	simm.s32 $_scs_section_size  }
0x9a: {  	s5 =	simm.s32 $_size__tile_overlayer_lowered;
	s6 =	simm.s32 $_tile_overlayer_lowered  }
0x9b: {  	s22 =	simm.s32 $0x1BFF;
	s21 =	sshll.u32 s6, $0x1;
	s3 =	sadd.s32 s4, s19  }
0x9c: {  	s7 =	simm.s32 $0x0;
	s20 =	sshll.u32 s5, $0x1;
	s5 =	sadd.s32 s21, s3  }
0x9d: {  	[timem:s7], [sflag:s22] =	dma.local [hbm:s5], s20  }
0x9e: {  	_ =	swait.ge [sflag:s22], s20  }
0x9f: {  	s4 =	ssub.s32 $0x0, s20;
	[sflag:s22] =	ssyncset.done $0x0  }
0xa0: {  	[sflag:s22] =	ssyncadd.s32 s4;
	_ =	sdelay $0x1  }
0xa1: {  	s23 =	simm.s32 $0x1B8B  }
0xa2: {  	_ =	swait.ge [sflag:s23], $0x1  }
0xa3: {  	[sflag:s23] =	ssyncset.done $0x0  }
0xa4: {  	s25 =	simm.s32 $0x1B8E;
	s24 =	sld [smem:$0x3FFE];
	[sflag:s23] =	ssyncadd.s32 $0xFFFFFFFF  }
0xa5: {  	s26 =	simm.s32 $execute0_lowered;
	[smem:$0x3FD2] =	sst s25  }
0xa6: {  	s5 =	sshll.u32 s26, $0x1;
	_ =	strace $0x80000046;
	[dreg:$0x1] =	wrdreg $0xFFFFFFFF  }
0xa7: {  	s28 =	simm.s32 $_size_execute0_lowered;
	s3 =	sadd.s32 s3, s5;
	[dreg:$0x0] =	wrdreg $0x0  }
0xa8: {  	s5 =	sshll.u32 s28, $0x1;
	[dreg:$0x2] =	wrdreg s3  }
0xa9: {  	[dreg:$0x3] =	wrdreg s5  }
0xaa: {  	[dreg:$0x4] =	wrdreg $0xC0  }
0xab: {  	_ =	task [dreg:s7], $0x5FFFF  }
0xac: {  	[dreg:$0x1] =	wrdreg $0xFFFFFFFF  }
0xad: {  	[dreg:$0x0] =	wrdreg $0x60  }
0xae: {  	[dreg:$0x2] =	wrdreg s24  }
0xaf: {  	[dreg:$0x3] =	wrdreg s2  }
0xb0: {  	[dreg:$0x4] =	wrdreg $0xC9800  }
0xb1: {  	[dreg:$0x5] =	wrdreg $0x9  }
0xb2: {  	_ =	task.clear_ibuf [dreg:s7], $0x6FFFF;
	_ =	strace $0x90000046  }
0xb3: {  	s29 =	simm.s32 $0x9;
	_ =	strace $0x80000048  }
0xb4: {  	_ =	swait.ge [sflag:s29], $0x1  }
0xb5: {  	[sflag:s29] =	ssyncadd.s32 $0xFFFFFFFF  }
0xb6: {  	_ =	strace $0x90000048  }
0xb7: {  	_ =	sfence  }
0xb8: {  	s30 =	sld [smem:$0x0];
	_ =	sdelay $0x2  }
0xb9: {  	s31 =	sshll.u32 s1, $0xD;
	s1 =	sshrl.u32 s1, $0x2  }
0xba: {  	s3 =	sand.u32 $0x4000, s31;
	s1 =	sadd.s32 s1, s30  }
0xbb: {  	s0 =	sor.u32 s3, s0;
	s1 =	sshll.u32 s1, $0x11  }
0xbc: {  	s0 =	sor.u32 s1, s0  }
0xbd: {  	s0 =	sadd.s32 $0x8F2B, s0  }
0xbe: {  	[sflag:s0] =	ssyncadd.remote.s32 $0x1  }
0xbf: {  	_ =	sfence.sel $0xFFFF  }
0xc0: {  	[dreg:$0x0] =	wrdreg $0xFFFFFFFF;
	(pc) =	sbr.abs _section_cstart, $3  }
0xc1: {  	[dreg:$0x1] =	wrdreg $0xFFFFFFFF  }
0xc2: {  	_ =	task.clear_ibuf [dreg:s7], $0x2FFFF;
	_ =	strace $0x9FFFFFFF  }
0xc3: {  	(tm) =	ssettm $0x7FFFFFFF  }
tec
execute0_lowered:
.L_overlay_start_1:
0x0: {  	(tag) =	ssettag $0x1  }
0x1: {  	s0 =	rddreg [dreg:$0x0]  }
0x2: {  	s1 =	rddreg [dreg:$0x1]  }
0x3: {  	s2 =	srdreg.scid;
	s10 =	stileid.u32  }
0x4: {  	s3 =	rddreg [dreg:$0x2];
	s4 =	sand.u32 $0x1, s2;
	s5 =	sand.u32 $0x7, s10  }
0x5: {  	s7 =	sshrl.u32 s10, $0x3;
	s2 =	simm.s32 $0x0;
	s16 =	sshll.u32 s10, $0xC  }
0x6: {  	s6 =	sshll.u32 s4, $0x1;
	p0 =	seq.s32 s5, $0x7;
	s8 =	sshll.u32 s5, $0x3  }
0x7: {  	[smem:$0x7FF] =	sst s2;
	s4 =	ssub.s32 $0x2, s4;
	s18 =	sand.u32 $0x8000, s16  }
0x8: {  	s19 =	sshll.u32 s5, $0x9;
	s6 =	sor.u32 s7, s6;
	s8 =	simm.s32 @p0 $0x34  }
0x9: {  	_ =	strace $0x80000047;
	s15 =	sshrl.u32 s4, $0x1;
	p0 =	seq.s32 s5, $0x6  }
0xa: {  	s5 =	simm.s32 $0x4;
	s7 =	sshll.u32 s6, $0x8;
	s9 =	sshll.u32 s8, $0xA  }
0xb: {  	s8 =	smul.u32 $0x1A6, s8;
	s4 =	ssub.s32 s4, s15;
	s20 =	sshll.u32 s6, $0xC  }
0xc: {  	s7 =	sor.u32 s7, s9;
	s22 =	sor.u32 s19, s20;
	s25 =	smax.u32 s4, $0x1  }
0xd: {  	s4 =	simm.s32 $0xA980;
	s7 =	sadd.s32 s7, s0;
	s0 =	sadd.s32 s8, s0  }
0xe: {  	[dreg:$0xb] =	wrdreg s25;
	s0 =	sadd.s32 $0x600, s0;
	s17 =	sadd.s32 $0x6A00, s7  }
0xf: {  	s21 =	sadd.s32 $0x6A80, s7;
	s26 =	sadd.s32 $0x6E00, s7;
	s13 =	sadd.s32 $0x7200, s7  }
0x10: {  	s14 =	sadd.s32 $0x7600, s7;
	s15 =	sadd.s32 $0x7A00, s7;
	[dreg:$0x4] =	wrdreg s0  }
0x11: {  	s20 =	sadd.s32 $0x7280, s7;
	s25 =	sadd.s32 $0x8680, s7;
	[dreg:$0x5] =	wrdreg s17  }
0x12: {  	s0 =	sadd.s32 s18, s3;
	[dreg:$0x6] =	wrdreg s21;
	s3 =	sadd.s32 s16, s3  }
0x13: {  	[dreg:$0xc] =	wrdreg s26;
	s16 =	sadd.s32 $0x7E00, s7;
	s17 =	sadd.s32 $0x8200, s7  }
0x14: {  	s18 =	sadd.s32 $0x8600, s7;
	s21 =	sadd.s32 $0x7680, s7;
	s6 =	sadd.s32 s19, s0  }
0x15: {  	[dreg:$0x7] =	wrdreg s3;
	s0 =	sshrl.u32 s22, $0x3;
	s19 =	sadd.s32 $0x6E80, s7  }
0x16: {  	s22 =	sadd.s32 $0x7A80, s7;
	s3 =	simm.s32 $0x3;
	s23 =	sadd.s32 $0x1000, s6  }
0x17: {  	s24 =	sadd.s32 $0x2000, s6;
	s0 =	sadd.s32 s1, s0;
	s26 =	sadd.s32 $0x3000, s6  }
0x18: {  	s28 =	sadd.s32 $0x4000, s6;
	s29 =	sadd.s32 $0x5000, s6;
	[dreg:$0x8] =	wrdreg s23  }
0x19: {  	s30 =	sadd.s32 $0x6000, s6;
	s31 =	sadd.s32 $0x7000, s6;
	[dreg:$0x9] =	wrdreg s24  }
0x1a: {  	v0 =	vlaneseq.u32;
	s1 =	simm.s32 $0x1;
	[dreg:$0xa] =	wrdreg s0;
	s23 =	sadd.s32 $0x7E80, s7  }
0x1b: {  	v0 =	vmul.u32 $0x2, v0;
	s24 =	sadd.s32 $0x8280, s7;
	s0 =	simm.s32 $0x2;
	s7 =	simm.s32 $0x0  }
.LBB2_1:
0x1c: {  	s8 =	rddreg [dreg:$0x4]  }
0x1d: {  	[tilespmem:s2], [sflag:$0x1] =	stream.linear.gather [hbm4b:s8+s2], $0x6980, $0x38;
	[tilespmem:$0xD980] =	vst v63  }
0x1e: {  	s10 =	rddreg [dreg:$0x5];
	s9 =	simm.s32 $0x6980  }
0x1f: {  	[tilespmem:s9], [sflag:$0x2] =	stream.linear.gather [hbm4b:s10+s2], $0x400, $0x38;
	[tilespmem:$0xD980] =	vst v63  }
0x20: {  	s11 =	rddreg [dreg:$0xc];
	s12 =	simm.s32 $0x7180  }
0x21: {  	[tilespmem:s12], [sflag:$0x2] =	stream.linear.gather [hbm4b:s11+s2], $0x400, $0x38;
	[tilespmem:$0xD980] =	vst v63  }
0x22: {  	s9 =	simm.s32 $0x7980  }
0x23: {  	[tilespmem:s9], [sflag:$0x2] =	stream.linear.gather [hbm4b:s13+s2], $0x400, $0x38;
	[tilespmem:$0xD980] =	vst v63  }
0x24: {  	s10 =	simm.s32 $0x8180  }
0x25: {  	[tilespmem:s10], [sflag:$0x2] =	stream.linear.gather [hbm4b:s14+s2], $0x400, $0x38;
	[tilespmem:$0xD980] =	vst v63  }
0x26: {  	s8 =	simm.s32 $0x8980  }
0x27: {  	[tilespmem:s8], [sflag:$0x2] =	stream.linear.gather [hbm4b:s15+s2], $0x400, $0x38;
	[tilespmem:$0xD980] =	vst v63  }
0x28: {  	s11 =	simm.s32 $0x9180  }
0x29: {  	[tilespmem:s11], [sflag:$0x2] =	stream.linear.gather [hbm4b:s16+s2], $0x400, $0x38;
	[tilespmem:$0xD980] =	vst v63  }
0x2a: {  	s12 =	simm.s32 $0x9980  }
0x2b: {  	[tilespmem:s12], [sflag:$0x2] =	stream.linear.gather [hbm4b:s17+s2], $0x400, $0x38;
	[tilespmem:$0xD980] =	vst v63  }
0x2c: {  	s10 =	simm.s32 $0xA180  }
0x2d: {  	[tilespmem:s10], [sflag:$0x2] =	stream.linear.gather [hbm4b:s18+s2], $0x400, $0x38;
	[tilespmem:$0xD980] =	vst v63  }
0x2e: {  	s11 =	rddreg [dreg:$0x6];
	s10 =	simm.s32 $0x6D80  }
0x2f: {  	[tilespmem:s10], [sflag:$0x3] =	stream.linear.gather [hbm4b:s11+s2], $0x400, $0x38;
	[tilespmem:$0xD980] =	vst v63  }
0x30: {  	s12 =	simm.s32 $0x7580  }
0x31: {  	[tilespmem:s12], [sflag:$0x3] =	stream.linear.gather [hbm4b:s19+s2], $0x400, $0x38;
	[tilespmem:$0xD980] =	vst v63  }
0x32: {  	s10 =	simm.s32 $0x7D80  }
0x33: {  	[tilespmem:s10], [sflag:$0x3] =	stream.linear.gather [hbm4b:s20+s2], $0x400, $0x38;
	[tilespmem:$0xD980] =	vst v63  }
0x34: {  	s11 =	simm.s32 $0x8580  }
0x35: {  	[tilespmem:s11], [sflag:$0x3] =	stream.linear.gather [hbm4b:s21+s2], $0x400, $0x38;
	[tilespmem:$0xD980] =	vst v63  }
0x36: {  	s12 =	simm.s32 $0x8D80  }
0x37: {  	[tilespmem:s12], [sflag:$0x3] =	stream.linear.gather [hbm4b:s22+s2], $0x400, $0x38;
	[tilespmem:$0xD980] =	vst v63  }
0x38: {  	s10 =	simm.s32 $0x9580  }
0x39: {  	[tilespmem:s10], [sflag:$0x3] =	stream.linear.gather [hbm4b:s23+s2], $0x400, $0x38;
	[tilespmem:$0xD980] =	vst v63  }
0x3a: {  	s11 =	simm.s32 $0x9D80  }
0x3b: {  	[tilespmem:s11], [sflag:$0x3] =	stream.linear.gather [hbm4b:s24+s2], $0x400, $0x38;
	[tilespmem:$0xD980] =	vst v63  }
0x3c: {  	s12 =	simm.s32 $0xA580  }
0x3d: {  	[tilespmem:s12], [sflag:$0x3] =	stream.linear.gather [hbm4b:s25+s2], $0x400, $0x38;
	[tilespmem:$0xD980] =	vst v63  }
0x3e: {  	_ =	swait.ge [sflag:s1], $0x6980  }
0x3f: {  	[sflag:s1] =	ssyncset.done $0x0  }
0x40: {  	[sflag:s1] =	ssyncadd.s32 $0xFFFF9680  }
0x41: {  	_ =	swait.ge [sflag:s0], $0x2000  }
0x42: {  	[sflag:s0] =	ssyncset.done $0x0  }
0x43: {  	[sflag:s0] =	ssyncadd.s32 $0xFFFFE000  }
0x44: {  	v1 =	vld [tilespmem:s8+$0xFFFFE000]  }
0x45: {  	v2 =	vld [tilespmem:s8+$0xFFFFE800];
	_ =	sdelay $0x1  }
0x46: {  	v3 =	vld [tilespmem:s8+$0xFFFFF000];
	_ =	sdelay $0x1  }
0x47: {  	v5 =	vld [tilespmem:s8+$0xFFFFF800];
	v4 =	vunpack.i.l.s16.s32 v1  }
0x48: {  	v7 =	vld [tilespmem:s8+$0x0];
	v1 =	vunpack.i.u.s16.s32 v1;
	v6 =	vunpack.i.l.s16.s32 v2  }
0x49: {  	v8 =	vld [tilespmem:s8+$0x1800];
	v2 =	vunpack.i.u.s16.s32 v2;
	v6 =	vadd.s32 $0xD30, v6  }
0x4a: {  	v10 =	vld [tilespmem:s8+$0x1000];
	v9 =	vunpack.i.l.s16.s32 v3;
	v2 =	vadd.s32 $0xD30, v2  }
0x4b: {  	v11 =	vld [tilespmem:s8+$0x800];
	v3 =	vunpack.i.u.s16.s32 v3;
	v9 =	vadd.s32 $0x1A60, v9  }
0x4c: {  	v12 =	vunpack.i.l.s16.s32 v5;
	v3 =	vadd.s32 $0x1A60, v3;
	v4 =	vld.idx.msk [tilespmem:v4+s2+$0x0], $0xffff  }
0x4d: {  	v5 =	vunpack.i.u.s16.s32 v5;
	v12 =	vadd.s32 $0x2790, v12;
	v1 =	vld.idx.msk [tilespmem:v1+s2+$0x0], $0xffff  }
0x4e: {  	v13 =	vunpack.i.l.s16.s32 v7;
	v5 =	vadd.s32 $0x2790, v5;
	v6 =	vld.idx.msk [tilespmem:v6+s2+$0x0], $0xffff  }
0x4f: {  	v7 =	vunpack.i.u.s16.s32 v7;
	v13 =	vadd.s32 $0x34C0, v13;
	v2 =	vld.idx.msk [tilespmem:v2+s2+$0x0], $0xffff  }
0x50: {  	v14 =	vunpack.i.l.s16.s32 v11;
	v7 =	vadd.s32 $0x34C0, v7;
	v9 =	vld.idx.msk [tilespmem:v9+s2+$0x0], $0xffff  }
0x51: {  	v11 =	vunpack.i.u.s16.s32 v11;
	v14 =	vadd.s32 $0x41F0, v14;
	v3 =	vld.idx.msk [tilespmem:v3+s2+$0x0], $0xffff  }
0x52: {  	v15 =	vunpack.i.l.s16.s32 v10;
	v11 =	vadd.s32 $0x41F0, v11;
	v12 =	vld.idx.msk [tilespmem:v12+s2+$0x0], $0xffff;
	v4 =	vadd.f32 $0.0e+00, v4  }
0x53: {  	v16 =	vunpack.i.l.s16.s32 v8;
	v10 =	vunpack.i.u.s16.s32 v10;
	v15 =	vadd.s32 $0x4F20, v15;
	v5 =	vld.idx.msk [tilespmem:v5+s2+$0x0], $0xffff  }
0x54: {  	v10 =	vadd.s32 $0x4F20, v10;
	v59 =	vld.idx.msk [tilespmem:v13+s2+$0x0], $0xffff;
	v1 =	vadd.f32 $0.0e+00, v1;
	v4 =	vadd.f32 v6, v4  }
0x55: {  	v8 =	vunpack.i.u.s16.s32 v8;
	v60 =	vadd.s32 $0x5C50, v16;
	v7 =	vld.idx.msk [tilespmem:v7+s2+$0x0], $0xffff  }
0x56: {  	v8 =	vadd.s32 $0x5C50, v8;
	v1 =	vadd.f32 v2, v1;
	v2 =	vadd.f32 v9, v4;
	v4 =	vld.idx.msk [tilespmem:v14+s2+$0x0], $0xffff  }
0x57: {  	v61 =	vld.idx.msk [tilespmem:v11+s2+$0x0], $0xffff  }
0x58: {  	v1 =	vadd.f32 v3, v1;
	v3 =	vld.idx.msk [tilespmem:v15+s2+$0x0], $0xffff;
	v2 =	vadd.f32 v12, v2  }
0x59: {  	v10 =	vld.idx.msk [tilespmem:v10+s2+$0x0], $0xffff;
	v6 =	vpsel p0, $0x0, v59  }
0x5a: {  	v1 =	vadd.f32 v5, v1;
	v5 =	vld.idx.msk [tilespmem:v60+s2+$0x0], $0xffff;
	v2 =	vadd.f32 v6, v2  }
0x5b: {  	v63 =	vld.idx.msk [tilespmem:v8+s2+$0x0], $0xffff;
	v62 =	vpsel p0, $0x0, v7;
	v4 =	vpsel p0, $0x0, v4  }
0x5c: {  	v1 =	vadd.f32 v62, v1;
	v2 =	vadd.f32 v4, v2  }
0x5d: {  	v3 =	vpsel p0, $0x0, v3;
	v4 =	vpsel p0, $0x0, v61  }
0x5e: {  	v1 =	vadd.f32 v4, v1;
	v3 =	vadd.f32 v3, v2  }
0x5f: {  	v4 =	vpsel p0, $0x0, v5;
	v2 =	vpsel p0, $0x0, v10  }
0x60: {  	s9 =	simm.s32 $0x0;
	s10 =	simm.s32 $0x80;
	v2 =	vadd.f32 v2, v1;
	v1 =	vadd.f32 v4, v3;
	v3 =	vpsel p0, $0x0, v63  }
.LBB2_2:
0x61: {  	s11 =	smov.u32 s10  }
0x62: {  	s12 =	sshra.s32 s10, $0x2;
	v2 =	vadd.f32 v3, v2;
	s8 =	sadd.s32 $0x10, s8;
	s11 =	sadd.s32 $0x80, s10  }
0x63: {  	p1 =	sne.s32 s10, $0x1F80;
	[tilespmem:s9+$0xA980] =	vst v1  }
0x64: {  	[tilespmem:s9+$0xA990] =	vst v2;
	s9 =	smov.u32 s12  }
0x65: {  	v1 =	vld [tilespmem:s8+$0xFFFFE000]  }
0x66: {  	v2 =	vld [tilespmem:s8+$0xFFFFE800];
	_ =	sdelay $0x1  }
0x67: {  	v3 =	vld [tilespmem:s8+$0xFFFFF000];
	_ =	sdelay $0x1  }
0x68: {  	v4 =	vunpack.i.u.s16.s32 v1;
	v1 =	vunpack.i.l.s16.s32 v1;
	v5 =	vld [tilespmem:s8+$0xFFFFF800]  }
0x69: {  	v6 =	vunpack.i.u.s16.s32 v2;
	v2 =	vunpack.i.l.s16.s32 v2;
	v7 =	vld [tilespmem:s8+$0x0]  }
0x6a: {  	v2 =	vadd.s32 $0xD30, v2;
	v6 =	vadd.s32 $0xD30, v6;
	v8 =	vld [tilespmem:s8+$0x1800]  }
0x6b: {  	v9 =	vunpack.i.u.s16.s32 v3;
	v3 =	vunpack.i.l.s16.s32 v3;
	v10 =	vld [tilespmem:s8+$0x1000]  }
0x6c: {  	v3 =	vadd.s32 $0x1A60, v3;
	v9 =	vadd.s32 $0x1A60, v9;
	v11 =	vld [tilespmem:s8+$0x800]  }
0x6d: {  	v1 =	vld.idx.msk [tilespmem:v1+s2+$0x0], $0xffff;
	v12 =	vunpack.i.u.s16.s32 v5;
	v5 =	vunpack.i.l.s16.s32 v5  }
0x6e: {  	v4 =	vld.idx.msk [tilespmem:v4+s2+$0x0], $0xffff;
	v5 =	vadd.s32 $0x2790, v5;
	v12 =	vadd.s32 $0x2790, v12;
	v13 =	vunpack.i.u.s16.s32 v7  }
0x6f: {  	v7 =	vunpack.i.l.s16.s32 v7;
	v2 =	vld.idx.msk [tilespmem:v2+s2+$0x0], $0xffff;
	v13 =	vadd.s32 $0x34C0, v13;
	v14 =	vunpack.i.l.s16.s32 v8  }
0x70: {  	v7 =	vadd.s32 $0x34C0, v7;
	v6 =	vld.idx.msk [tilespmem:v6+s2+$0x0], $0xffff;
	v15 =	vunpack.i.u.s16.s32 v10;
	v10 =	vunpack.i.l.s16.s32 v10  }
0x71: {  	v3 =	vld.idx.msk [tilespmem:v3+s2+$0x0], $0xffff;
	v16 =	vunpack.i.u.s16.s32 v11;
	v11 =	vunpack.i.l.s16.s32 v11;
	v10 =	vadd.s32 $0x4F20, v10  }
0x72: {  	v15 =	vadd.s32 $0x4F20, v15;
	v9 =	vld.idx.msk [tilespmem:v9+s2+$0x0], $0xffff;
	v11 =	vadd.s32 $0x41F0, v11;
	v16 =	vadd.s32 $0x41F0, v16  }
0x73: {  	v8 =	vunpack.i.u.s16.s32 v8;
	v14 =	vadd.s32 $0x5C50, v14;
	v1 =	vadd.f32 $0.0e+00, v1;
	v5 =	vld.idx.msk [tilespmem:v5+s2+$0x0], $0xffff  }
0x74: {  	v8 =	vadd.s32 $0x5C50, v8;
	v4 =	vadd.f32 $0.0e+00, v4;
	v12 =	vld.idx.msk [tilespmem:v12+s2+$0x0], $0xffff  }
0x75: {  	v1 =	vadd.f32 v2, v1;
	v2 =	vld.idx.msk [tilespmem:v7+s2+$0x0], $0xffff  }
0x76: {  	v4 =	vadd.f32 v6, v4;
	v6 =	vld.idx.msk [tilespmem:v13+s2+$0x0], $0xffff  }
0x77: {  	v1 =	vadd.f32 v3, v1;
	v3 =	vld.idx.msk [tilespmem:v11+s2+$0x0], $0xffff  }
0x78: {  	v4 =	vadd.f32 v9, v4;
	v7 =	vld.idx.msk [tilespmem:v16+s2+$0x0], $0xffff  }
0x79: {  	v9 =	vld.idx.msk [tilespmem:v10+s2+$0x0], $0xffff  }
0x7a: {  	v1 =	vadd.f32 v5, v1;
	v4 =	vadd.f32 v12, v4;
	v5 =	vld.idx.msk [tilespmem:v15+s2+$0x0], $0xffff  }
0x7b: {  	v2 =	vpsel p0, $0x0, v2;
	v10 =	vld.idx.msk [tilespmem:v14+s2+$0x0], $0xffff  }
0x7c: {  	v1 =	vadd.f32 v2, v1;
	v2 =	vpsel p0, $0x0, v6;
	v6 =	vld.idx.msk [tilespmem:v8+s2+$0x0], $0xffff  }
0x7d: {  	v2 =	vadd.f32 v2, v4;
	v3 =	vpsel p0, $0x0, v3  }
.Ltmp0:
0x7e: {  	v1 =	vadd.f32 v3, v1;
	v3 =	vpsel p0, $0x0, v7;
	(pc) =	sbr.rel @p1 .LBB2_2-.Ltmp0, $4  }
0x7f: {  	v2 =	vadd.f32 v3, v2;
	v3 =	vpsel p0, $0x0, v9  }
0x80: {  	v1 =	vadd.f32 v3, v1;
	v3 =	vpsel p0, $0x0, v5  }
0x81: {  	v2 =	vadd.f32 v3, v2;
	v3 =	vpsel p0, $0x0, v10  }
0x82: {  	s10 =	smov.u32 s11;
	v1 =	vadd.f32 v3, v1;
	v3 =	vpsel p0, $0x0, v6  }
0x83: {  	v2 =	vadd.f32 v3, v2  }
0x84: {  	[tilespmem:s9+$0xA980] =	vst v1  }
0x85: {  	[tilespmem:s9+$0xA990] =	vst v2  }
0x86: {  	_ =	swait.ge [sflag:s3], $0x2000  }
0x87: {  	[sflag:s3] =	ssyncset.done $0x0  }
0x88: {  	s8 =	simm.s32 $0x8D80;
	[sflag:s3] =	ssyncadd.s32 $0xFFFFE000  }
0x89: {  	v1 =	vld [tilespmem:s8+$0xFFFFE000]  }
0x8a: {  	v2 =	vld [tilespmem:s8+$0xFFFFE800];
	_ =	sdelay $0x1  }
0x8b: {  	v3 =	vld [tilespmem:s8+$0xFFFFF000];
	_ =	sdelay $0x1  }
0x8c: {  	v5 =	vld [tilespmem:s8+$0xFFFFF800];
	v4 =	vunpack.i.l.s16.s32 v1  }
0x8d: {  	v7 =	vld [tilespmem:s8+$0x0];
	v1 =	vunpack.i.u.s16.s32 v1;
	v6 =	vunpack.i.l.s16.s32 v2  }
0x8e: {  	v8 =	vld [tilespmem:s8+$0x1800];
	v2 =	vunpack.i.u.s16.s32 v2;
	v6 =	vadd.s32 $0xD30, v6  }
0x8f: {  	v10 =	vld [tilespmem:s8+$0x1000];
	v9 =	vunpack.i.l.s16.s32 v3;
	v2 =	vadd.s32 $0xD30, v2  }
0x90: {  	v11 =	vld [tilespmem:s8+$0x800];
	v3 =	vunpack.i.u.s16.s32 v3;
	v9 =	vadd.s32 $0x1A60, v9  }
0x91: {  	v12 =	vunpack.i.l.s16.s32 v5;
	v3 =	vadd.s32 $0x1A60, v3;
	v4 =	vld.idx.msk [tilespmem:v4+s2+$0x0], $0xffff  }
0x92: {  	v5 =	vunpack.i.u.s16.s32 v5;
	v12 =	vadd.s32 $0x2790, v12;
	v1 =	vld.idx.msk [tilespmem:v1+s2+$0x0], $0xffff  }
0x93: {  	v13 =	vunpack.i.l.s16.s32 v7;
	v5 =	vadd.s32 $0x2790, v5;
	v6 =	vld.idx.msk [tilespmem:v6+s2+$0x0], $0xffff  }
0x94: {  	v7 =	vunpack.i.u.s16.s32 v7;
	v13 =	vadd.s32 $0x34C0, v13;
	v2 =	vld.idx.msk [tilespmem:v2+s2+$0x0], $0xffff  }
0x95: {  	v14 =	vunpack.i.l.s16.s32 v11;
	v7 =	vadd.s32 $0x34C0, v7;
	v9 =	vld.idx.msk [tilespmem:v9+s2+$0x0], $0xffff  }
0x96: {  	v11 =	vunpack.i.u.s16.s32 v11;
	v14 =	vadd.s32 $0x41F0, v14;
	v3 =	vld.idx.msk [tilespmem:v3+s2+$0x0], $0xffff  }
0x97: {  	v15 =	vunpack.i.l.s16.s32 v10;
	v11 =	vadd.s32 $0x41F0, v11;
	v12 =	vld.idx.msk [tilespmem:v12+s2+$0x0], $0xffff;
	v4 =	vadd.f32 $0.0e+00, v4  }
0x98: {  	v16 =	vunpack.i.l.s16.s32 v8;
	v10 =	vunpack.i.u.s16.s32 v10;
	v15 =	vadd.s32 $0x4F20, v15;
	v5 =	vld.idx.msk [tilespmem:v5+s2+$0x0], $0xffff  }
0x99: {  	v10 =	vadd.s32 $0x4F20, v10;
	v59 =	vld.idx.msk [tilespmem:v13+s2+$0x0], $0xffff;
	v1 =	vadd.f32 $0.0e+00, v1;
	v4 =	vadd.f32 v6, v4  }
0x9a: {  	v8 =	vunpack.i.u.s16.s32 v8;
	v60 =	vadd.s32 $0x5C50, v16;
	v7 =	vld.idx.msk [tilespmem:v7+s2+$0x0], $0xffff  }
0x9b: {  	v8 =	vadd.s32 $0x5C50, v8;
	v1 =	vadd.f32 v2, v1;
	v2 =	vadd.f32 v9, v4;
	v4 =	vld.idx.msk [tilespmem:v14+s2+$0x0], $0xffff  }
0x9c: {  	v61 =	vld.idx.msk [tilespmem:v11+s2+$0x0], $0xffff  }
0x9d: {  	v1 =	vadd.f32 v3, v1;
	v3 =	vld.idx.msk [tilespmem:v15+s2+$0x0], $0xffff;
	v2 =	vadd.f32 v12, v2  }
0x9e: {  	v10 =	vld.idx.msk [tilespmem:v10+s2+$0x0], $0xffff;
	v6 =	vpsel p0, $0x0, v59  }
0x9f: {  	v1 =	vadd.f32 v5, v1;
	v5 =	vld.idx.msk [tilespmem:v60+s2+$0x0], $0xffff;
	v2 =	vadd.f32 v6, v2  }
0xa0: {  	v63 =	vld.idx.msk [tilespmem:v8+s2+$0x0], $0xffff;
	v62 =	vpsel p0, $0x0, v7;
	v4 =	vpsel p0, $0x0, v4  }
0xa1: {  	v1 =	vadd.f32 v62, v1;
	v2 =	vadd.f32 v4, v2  }
0xa2: {  	v3 =	vpsel p0, $0x0, v3;
	v4 =	vpsel p0, $0x0, v61  }
0xa3: {  	v1 =	vadd.f32 v4, v1;
	v3 =	vadd.f32 v3, v2  }
0xa4: {  	v4 =	vpsel p0, $0x0, v5;
	v2 =	vpsel p0, $0x0, v10  }
0xa5: {  	s11 =	simm.s32 $0x80;
	s9 =	simm.s32 $0x0;
	v2 =	vadd.f32 v2, v1;
	v1 =	vadd.f32 v4, v3;
	v3 =	vpsel p0, $0x0, v63  }
.LBB2_4:
0xa6: {  	s10 =	smov.u32 s11  }
0xa7: {  	s12 =	sshra.s32 s11, $0x2;
	v2 =	vadd.f32 v3, v2;
	s8 =	sadd.s32 $0x10, s8;
	s10 =	sadd.s32 $0x80, s11  }
0xa8: {  	p1 =	sne.s32 s11, $0x1F80;
	[tilespmem:s9+$0xB180] =	vst v1  }
0xa9: {  	[tilespmem:s9+$0xB190] =	vst v2;
	s9 =	smov.u32 s12  }
0xaa: {  	v1 =	vld [tilespmem:s8+$0xFFFFE000]  }
0xab: {  	v2 =	vld [tilespmem:s8+$0xFFFFE800];
	_ =	sdelay $0x1  }
0xac: {  	v3 =	vld [tilespmem:s8+$0xFFFFF000];
	_ =	sdelay $0x1  }
0xad: {  	v4 =	vunpack.i.u.s16.s32 v1;
	v1 =	vunpack.i.l.s16.s32 v1;
	v5 =	vld [tilespmem:s8+$0xFFFFF800]  }
0xae: {  	v6 =	vunpack.i.u.s16.s32 v2;
	v2 =	vunpack.i.l.s16.s32 v2;
	v7 =	vld [tilespmem:s8+$0x0]  }
0xaf: {  	v2 =	vadd.s32 $0xD30, v2;
	v6 =	vadd.s32 $0xD30, v6;
	v8 =	vld [tilespmem:s8+$0x1800]  }
0xb0: {  	v9 =	vunpack.i.u.s16.s32 v3;
	v3 =	vunpack.i.l.s16.s32 v3;
	v10 =	vld [tilespmem:s8+$0x1000]  }
0xb1: {  	v3 =	vadd.s32 $0x1A60, v3;
	v9 =	vadd.s32 $0x1A60, v9;
	v11 =	vld [tilespmem:s8+$0x800]  }
0xb2: {  	v1 =	vld.idx.msk [tilespmem:v1+s2+$0x0], $0xffff;
	v12 =	vunpack.i.u.s16.s32 v5;
	v5 =	vunpack.i.l.s16.s32 v5  }
0xb3: {  	v4 =	vld.idx.msk [tilespmem:v4+s2+$0x0], $0xffff;
	v5 =	vadd.s32 $0x2790, v5;
	v12 =	vadd.s32 $0x2790, v12;
	v13 =	vunpack.i.u.s16.s32 v7  }
0xb4: {  	v7 =	vunpack.i.l.s16.s32 v7;
	v2 =	vld.idx.msk [tilespmem:v2+s2+$0x0], $0xffff;
	v13 =	vadd.s32 $0x34C0, v13;
	v14 =	vunpack.i.l.s16.s32 v8  }
0xb5: {  	v7 =	vadd.s32 $0x34C0, v7;
	v6 =	vld.idx.msk [tilespmem:v6+s2+$0x0], $0xffff;
	v15 =	vunpack.i.u.s16.s32 v10;
	v10 =	vunpack.i.l.s16.s32 v10  }
0xb6: {  	v3 =	vld.idx.msk [tilespmem:v3+s2+$0x0], $0xffff;
	v16 =	vunpack.i.u.s16.s32 v11;
	v11 =	vunpack.i.l.s16.s32 v11;
	v10 =	vadd.s32 $0x4F20, v10  }
0xb7: {  	v15 =	vadd.s32 $0x4F20, v15;
	v9 =	vld.idx.msk [tilespmem:v9+s2+$0x0], $0xffff;
	v11 =	vadd.s32 $0x41F0, v11;
	v16 =	vadd.s32 $0x41F0, v16  }
0xb8: {  	v8 =	vunpack.i.u.s16.s32 v8;
	v14 =	vadd.s32 $0x5C50, v14;
	v1 =	vadd.f32 $0.0e+00, v1;
	v5 =	vld.idx.msk [tilespmem:v5+s2+$0x0], $0xffff  }
0xb9: {  	v8 =	vadd.s32 $0x5C50, v8;
	v4 =	vadd.f32 $0.0e+00, v4;
	v12 =	vld.idx.msk [tilespmem:v12+s2+$0x0], $0xffff  }
0xba: {  	v1 =	vadd.f32 v2, v1;
	v2 =	vld.idx.msk [tilespmem:v7+s2+$0x0], $0xffff  }
0xbb: {  	v4 =	vadd.f32 v6, v4;
	v6 =	vld.idx.msk [tilespmem:v13+s2+$0x0], $0xffff  }
0xbc: {  	v1 =	vadd.f32 v3, v1;
	v3 =	vld.idx.msk [tilespmem:v11+s2+$0x0], $0xffff  }
0xbd: {  	v4 =	vadd.f32 v9, v4;
	v7 =	vld.idx.msk [tilespmem:v16+s2+$0x0], $0xffff  }
0xbe: {  	v9 =	vld.idx.msk [tilespmem:v10+s2+$0x0], $0xffff  }
0xbf: {  	v1 =	vadd.f32 v5, v1;
	v4 =	vadd.f32 v12, v4;
	v5 =	vld.idx.msk [tilespmem:v15+s2+$0x0], $0xffff  }
0xc0: {  	v2 =	vpsel p0, $0x0, v2;
	v10 =	vld.idx.msk [tilespmem:v14+s2+$0x0], $0xffff  }
0xc1: {  	v1 =	vadd.f32 v2, v1;
	v2 =	vpsel p0, $0x0, v6;
	v6 =	vld.idx.msk [tilespmem:v8+s2+$0x0], $0xffff  }
0xc2: {  	v2 =	vadd.f32 v2, v4;
	v3 =	vpsel p0, $0x0, v3  }
.Ltmp1:
0xc3: {  	v1 =	vadd.f32 v3, v1;
	v3 =	vpsel p0, $0x0, v7;
	(pc) =	sbr.rel @p1 .LBB2_4-.Ltmp1, $4  }
0xc4: {  	v2 =	vadd.f32 v3, v2;
	v3 =	vpsel p0, $0x0, v9  }
0xc5: {  	v1 =	vadd.f32 v3, v1;
	v3 =	vpsel p0, $0x0, v5  }
0xc6: {  	v2 =	vadd.f32 v3, v2;
	v3 =	vpsel p0, $0x0, v10  }
0xc7: {  	s11 =	smov.u32 s10;
	v1 =	vadd.f32 v3, v1;
	v3 =	vpsel p0, $0x0, v6  }
0xc8: {  	v2 =	vadd.f32 v3, v2  }
0xc9: {  	[tilespmem:s9+$0xB180] =	vst v1  }
0xca: {  	s8 =	rddreg [dreg:$0x7];
	[tilespmem:s9+$0xB190] =	vst v2  }
0xcb: {  	[spmem:s8] =	stream.linear.scatter [tilespmem:s4], [sflag:$0x4], $0x1000, $0x38;
	[tilespmem:$0xD980] =	vst v63  }
0xcc: {  	_ =	swait.ge [sflag:s5], $0x1000  }
0xcd: {  	[sflag:s5] =	ssyncset.done $0x0  }
0xce: {  	[sflag:s5] =	ssyncadd.s32 $0xFFFFF000  }
0xcf: {  	s12 =	simm.s32 $0xB980;
	[bflag:$0x0] =	sbarrier.arrive $0xFFFF  }
0xd0: {  	[tilespmem:s12], [sflag:$0x4] =	stream.linear.gather [spmem:s6], $0x200, $0x38;
	[tilespmem:$0xD980] =	vst v63  }
0xd1: {  	_ =	swait.ge [sflag:s5], $0x200  }
0xd2: {  	[sflag:s5] =	ssyncset.done $0x0  }
0xd3: {  	s10 =	simm.s32 $0xBB80;
	s9 =	rddreg [dreg:$0x8];
	[sflag:s5] =	ssyncadd.s32 $0xFFFFFE00  }
0xd4: {  	[tilespmem:s10], [sflag:$0x4] =	stream.linear.gather [spmem:s9], $0x200, $0x38;
	[tilespmem:$0xD980] =	vst v63  }
0xd5: {  	_ =	swait.ge [sflag:s5], $0x200  }
0xd6: {  	[sflag:s5] =	ssyncset.done $0x0  }
0xd7: {  	s12 =	simm.s32 $0xBD80;
	s11 =	rddreg [dreg:$0x9];
	[sflag:s5] =	ssyncadd.s32 $0xFFFFFE00  }
0xd8: {  	[tilespmem:s12], [sflag:$0x4] =	stream.linear.gather [spmem:s11], $0x200, $0x38;
	[tilespmem:$0xD980] =	vst v63  }
0xd9: {  	_ =	swait.ge [sflag:s5], $0x200  }
0xda: {  	[sflag:s5] =	ssyncset.done $0x0  }
0xdb: {  	s9 =	simm.s32 $0xBF80;
	[sflag:s5] =	ssyncadd.s32 $0xFFFFFE00  }
0xdc: {  	[tilespmem:s9], [sflag:$0x4] =	stream.linear.gather [spmem:s26], $0x200, $0x38;
	[tilespmem:$0xD980] =	vst v63  }
0xdd: {  	_ =	swait.ge [sflag:s5], $0x200  }
0xde: {  	[sflag:s5] =	ssyncset.done $0x0  }
0xdf: {  	s8 =	simm.s32 $0xC180;
	[sflag:s5] =	ssyncadd.s32 $0xFFFFFE00  }
0xe0: {  	[tilespmem:s8], [sflag:$0x4] =	stream.linear.gather [spmem:s28], $0x200, $0x38;
	[tilespmem:$0xD980] =	vst v63  }
0xe1: {  	_ =	swait.ge [sflag:s5], $0x200  }
0xe2: {  	[sflag:s5] =	ssyncset.done $0x0  }
0xe3: {  	s10 =	simm.s32 $0xC380;
	[sflag:s5] =	ssyncadd.s32 $0xFFFFFE00  }
0xe4: {  	[tilespmem:s10], [sflag:$0x4] =	stream.linear.gather [spmem:s29], $0x200, $0x38;
	[tilespmem:$0xD980] =	vst v63  }
0xe5: {  	_ =	swait.ge [sflag:s5], $0x200  }
0xe6: {  	[sflag:s5] =	ssyncset.done $0x0  }
0xe7: {  	s11 =	simm.s32 $0xC580;
	[sflag:s5] =	ssyncadd.s32 $0xFFFFFE00  }
0xe8: {  	[tilespmem:s11], [sflag:$0x4] =	stream.linear.gather [spmem:s30], $0x200, $0x38;
	[tilespmem:$0xD980] =	vst v63  }
0xe9: {  	_ =	swait.ge [sflag:s5], $0x200  }
0xea: {  	[sflag:s5] =	ssyncset.done $0x0  }
0xeb: {  	s12 =	simm.s32 $0xC780;
	[sflag:s5] =	ssyncadd.s32 $0xFFFFFE00  }
0xec: {  	[tilespmem:s12], [sflag:$0x4] =	stream.linear.gather [spmem:s31], $0x200, $0x38;
	[tilespmem:$0xD980] =	vst v63  }
0xed: {  	_ =	swait.ge [sflag:s5], $0x200  }
0xee: {  	[sflag:s5] =	ssyncset.done $0x0  }
0xef: {  	[sflag:s5] =	ssyncadd.s32 $0xFFFFFE00  }
0xf0: {  	v2 =	vld [tilespmem:s8+$0xFFFFF800]  }
0xf1: {  	s9 =	simm.s32 $0x0;
	s10 =	simm.s32 $0x20;
	v1 =	vld [tilespmem:s8+$0xFFFFF810]  }
.LBB2_6:
0xf2: {  	p1 =	sne.s32 s10, $0x1E0;
	v3 =	vld [tilespmem:s8+$0xFFFFFA00]  }
0xf3: {  	v4 =	vld [tilespmem:s8+$0xFFFFFA10]  }
0xf4: {  	v5 =	vld [tilespmem:s8+$0xFFFFFC00]  }
0xf5: {  	v2 =	vadd.f32 $0.0e+00, v2;
	v6 =	vld [tilespmem:s8+$0xFFFFFC10]  }
0xf6: {  	v1 =	vadd.f32 $0.0e+00, v1;
	v7 =	vld [tilespmem:s8+$0xFFFFFE00]  }
0xf7: {  	v2 =	vadd.f32 v3, v2;
	v3 =	vld [tilespmem:s8+$0xFFFFFE10]  }
0xf8: {  	v1 =	vadd.f32 v4, v1;
	v4 =	vld [tilespmem:s8+$0x0]  }
0xf9: {  	v2 =	vadd.f32 v5, v2;
	v5 =	vld [tilespmem:s8+$0x10]  }
0xfa: {  	v1 =	vadd.f32 v6, v1;
	v6 =	vld [tilespmem:s8+$0x200]  }
0xfb: {  	v2 =	vadd.f32 v7, v2;
	v7 =	vld [tilespmem:s8+$0x210]  }
0xfc: {  	v1 =	vadd.f32 v3, v1;
	v3 =	vld [tilespmem:s8+$0x400]  }
0xfd: {  	v2 =	vadd.f32 v4, v2;
	v4 =	vld [tilespmem:s8+$0x410]  }
0xfe: {  	v1 =	vadd.f32 v5, v1;
	v5 =	vld [tilespmem:s8+$0x600]  }
0xff: {  	v2 =	vadd.f32 v6, v2;
	v6 =	vld [tilespmem:s8+$0x610]  }
0x100: {  	s11 =	sadd.s32 $0x1, s9;
	v1 =	vadd.f32 v7, v1;
	v7 =	vor.u32 s9, v0;
	s9 =	smov.u32 s10  }
0x101: {  	v2 =	vadd.f32 v3, v2;
	v3 =	vor.u32 s11, v0  }
0x102: {  	v1 =	vadd.f32 v4, v1  }
0x103: {  	v2 =	vadd.f32 v5, v2  }
.Ltmp2:
0x104: {  	v1 =	vadd.f32 v6, v1;
	(pc) =	sbr.rel @p1 .LBB2_6-.Ltmp2, $4  }
0x105: {  	[tilespmem:v7+s4+$0x0] =	vst.idx.msk $0xffff, v2  }
0x106: {  	s8 =	sadd.s32 $0x20, s8;
	[tilespmem:v3+s4+$0x0] =	vst.idx.msk $0xffff, v1  }
0x107: {  	v2 =	vld [tilespmem:s8+$0xFFFFF800]  }
0x108: {  	s10 =	sadd.s32 $0x20, s10;
	v1 =	vld [tilespmem:s8+$0xFFFFF810]  }
0x109: {  	v3 =	vld [tilespmem:s8+$0xFFFFFA00]  }
0x10a: {  	v4 =	vld [tilespmem:s8+$0xFFFFFA10]  }
0x10b: {  	v5 =	vld [tilespmem:s8+$0xFFFFFC00]  }
0x10c: {  	v6 =	vld [tilespmem:s8+$0xFFFFFC10];
	v2 =	vadd.f32 $0.0e+00, v2  }
0x10d: {  	v7 =	vld [tilespmem:s8+$0xFFFFFE00];
	v1 =	vadd.f32 $0.0e+00, v1  }
0x10e: {  	v2 =	vadd.f32 v3, v2;
	v3 =	vld [tilespmem:s8+$0xFFFFFE10]  }
0x10f: {  	v56 =	vld [tilespmem:s8+$0x0];
	v1 =	vadd.f32 v4, v1  }
0x110: {  	v57 =	vld [tilespmem:s8+$0x10];
	v2 =	vadd.f32 v5, v2  }
0x111: {  	v58 =	vld [tilespmem:s8+$0x200];
	v1 =	vadd.f32 v6, v1  }
0x112: {  	v59 =	vld [tilespmem:s8+$0x210];
	v2 =	vadd.f32 v7, v2  }
0x113: {  	v1 =	vadd.f32 v3, v1;
	v3 =	vld [tilespmem:s8+$0x400]  }
0x114: {  	v60 =	vld [tilespmem:s8+$0x410];
	v2 =	vadd.f32 v56, v2  }
0x115: {  	v61 =	vld [tilespmem:s8+$0x600];
	v1 =	vadd.f32 v57, v1  }
0x116: {  	v62 =	vld [tilespmem:s8+$0x610];
	v2 =	vadd.f32 v58, v2  }
0x117: {  	v63 =	vor.u32 s9, v0;
	s10 =	sadd.s32 $0x1, s9;
	v1 =	vadd.f32 v59, v1  }
0x118: {  	v2 =	vadd.f32 v3, v2;
	v3 =	vor.u32 s10, v0  }
0x119: {  	v1 =	vadd.f32 v60, v1  }
0x11a: {  	v2 =	vadd.f32 v61, v2  }
0x11b: {  	v1 =	vadd.f32 v62, v1  }
0x11c: {  	[tilespmem:v63+s4+$0x0] =	vst.idx.msk $0xffff, v2  }
0x11d: {  	s11 =	rddreg [dreg:$0xa];
	[tilespmem:v3+s4+$0x0] =	vst.idx.msk $0xffff, v1  }
0x11e: {  	[hbm4b:s11+s2] =	stream.linear.scatter [tilespmem:s4], [sflag:$0x4], $0x200, $0x38;
	[tilespmem:$0xD980] =	vst v63  }
0x11f: {  	_ =	swait.ge [sflag:s5], $0x200  }
0x120: {  	s7 =	sadd.s32 $0x1, s7;
	s12 =	rddreg [dreg:$0xb]  }
0x121: {  	p1 =	sne.s32 s7, s12  }
.Ltmp3:
0x122: {  	_ = 	snop;
	(pc) =	sbr.rel @p1 .LBB2_1-.Ltmp3, $3  }
0x123: {  	_ =	sdelay $0x1  }
0x124: {  	[sflag:s5] =	ssyncset.done $0x0  }
0x125: {  	[sflag:s5] =	ssyncadd.s32 $0xFFFFFE00  }
0x126: {  	_ =	sfence.sel $0x180000  }
0x127: {  	[bflag:$0x0] =	sbarrier.arrive $0xFFFF  }
0x128: {  	_ =	strace $0x90000047  }
0x129: {  	s0 =	stileid.u32;
	[bflag:$0x2] =	sbarrier.arrive $0xFFFF  }
0x12a: {  	p0 =	sne.s32 s0, $0x0;
	s0 =	rddreg [dreg:$0x3]  }
0x12b: {  	s0 =	sadd.s32 @!p0 $0x100000, s0  }
0x12c: {  	[sflag:s0] =	ssyncadd.tile.s32 @!p0 $0x1;
	_ =	shalt  }
.Lfunc_end2:
_tile_overlayer_lowered:
.L_overlay_start_2:
0x12d: {  	(tag) =	ssettag $0x2  }
0x12e: {  	s0 =	rddreg [dreg:$0x0];
	s2 =	stileid.u32  }
0x12f: {  	s1 =	rddreg [dreg:$0x1];
	p0 =	sne.s32 s2, $0x0  }
0x130: {  	s3 =	rddreg [dreg:$0x2];
	[bflag:$0x3] =	sbarrier.arrive $0xFFFF;
	s2 =	simm.s32 @!p0 $0x1C04  }
0x131: {  	[timem:s3], [sflag:s2] =	dma.local @!p0 [hbm:s0], s1  }
0x132: {  	s0 =	simm.s32 @!p0 $0x4  }
0x133: {  	_ =	swait.ge @!p0 [sflag:s0], s1  }
0x134: {  	s1 =	ssub.s32 @!p0 $0x0, s1;
	[sflag:s0] =	ssyncset.done @!p0 $0x0  }
0x135: {  	[sflag:s0] =	ssyncadd.s32 @!p0 s1  }
0x136: {  	[bflag:$0x3] =	sbarrier.arrive $0xFFFF  }
0x137: {  	_ =	shalt  }

</sc_bundles>
